<compile_context>
chip_gen: v7x
topology: tpu7x:2x2x1
jax: 0.10.2.dev20260603
libtpu: 0.0.44.dev20260713+nightly
codegen_flags: <defaults>
</compile_context>

<pallas_src>
import functools

import jax
import jax.numpy as jnp
from jax import lax
from jax.experimental import pallas as pl
from jax.experimental.pallas import tpu as pltpu
from jax.experimental.pallas import tpu_sc as plsc

D_MODEL = 64
NB = 512
SEQ = 50
BATCH = 16384
SCALE = 64.0
LANES = 16
NGBUF = 3


@jax.jit
def _run(xidx, lut):
    info = plsc.get_sparse_core_info()
    nc = info.num_cores
    n_workers = nc * info.num_subcores
    chunks_per_s = BATCH // NB
    total_chunks = SEQ * chunks_per_s
    cpw = total_chunks // n_workers
    mesh = plsc.VectorSubcoreMesh(core_axis_name="c", subcore_axis_name="s")

    @functools.partial(
        pl.kernel,
        mesh=mesh,
        out_type=jax.ShapeDtypeStruct((SEQ, BATCH, D_MODEL), jnp.float32),
        scratch_types=[
            pltpu.VMEM((cpw, NB // 128, 128), jnp.int32),
            pltpu.VMEM((NGBUF, NB, D_MODEL), jnp.float32),
            pltpu.SemaphoreType.DMA((NGBUF,)),
            pltpu.SemaphoreType.DMA((NGBUF,)),
        ],
        compiler_params=pltpu.CompilerParams(
            use_tc_tiling_on_sc=False, needs_layout_passes=False
        ),
    )
    def k(xidx_hbm, lut_hbm, out_hbm, idx_v, gbuf, gsem, osem):
        wid = lax.axis_index("s") * nc + lax.axis_index("c")
        c0 = wid * cpw
        pltpu.sync_copy(xidx_hbm.at[pl.ds(c0, cpw)], idx_v)

        def start_gathers(ci, b):
            for g in range(NB // 128):
                pltpu.async_copy(
                    lut_hbm.at[idx_v.at[ci, g]],
                    gbuf.at[b, pl.ds(g * 128, 128)],
                    gsem.at[b],
                )

        def wait_gathers(ci, b):
            for g in range(NB // 128):
                pltpu.make_async_copy(
                    lut_hbm.at[idx_v.at[ci, g]],
                    gbuf.at[b, pl.ds(g * 128, 128)],
                    gsem.at[b],
                ).wait()

        def out_slice(ci):
            c = c0 + ci
            s = c // chunks_per_s
            b0 = (c % chunks_per_s) * NB
            return out_hbm.at[s, pl.ds(b0, NB)]

        def wait_out(ci, b):
            pltpu.make_async_copy(gbuf.at[b], out_slice(ci), osem.at[b]).wait()

        for b in range(NGBUF):
            start_gathers(b, b)

        def step(ci, carry):
            gb = lax.rem(ci, NGBUF)
            wait_gathers(ci, gb)

            def srow(r4, carry2):
                r0 = r4 * 4
                for rr in range(4):
                    r = r0 + rr
                    for g in range(D_MODEL // LANES):
                        sl = pl.ds(g * LANES, LANES)
                        gbuf[gb, r, sl] = gbuf[gb, r, sl] * SCALE
                return carry2

            lax.fori_loop(0, NB // 4, srow, 0)
            pltpu.async_copy(gbuf.at[gb], out_slice(ci), osem.at[gb])

            @pl.when(ci < cpw - NGBUF)
            def _refill():
                wait_out(ci, gb)
                start_gathers(ci + NGBUF, gb)

            return carry

        lax.fori_loop(0, cpw, step, 0)
        for b in range(NGBUF):
            ci = cpw - NGBUF + b
            wait_out(ci, lax.rem(ci, NGBUF))

    return k(xidx, lut)


def kernel(x, lut):
    xidx = jnp.transpose(x).astype(jnp.int32).reshape(SEQ * BATCH // NB, NB // 128, 128)
    o = _run(xidx, lut)
    return jnp.transpose(o, (1, 0, 2))

# --- scband reference (transcript-rebuilt; emitter-appended) ---
"""Pipeline reference for scband-random-noise-high-frequence-embeddings-2680059592960 (READ-ONLY COPY).

The authoritative reference and input builder live on the scoring server;
editing this copy changes nothing except your own understanding.
"""

import jax, jax.numpy as jnp
import numpy as np
import math

D_MODEL = 64
VOCAB = 1000000

def setup_inputs(seed: int = 0) -> dict:
    key = jax.random.key(seed)
    k1, k2 = jax.random.split(key)
    x = jax.random.randint(k1, (16384, 50), 0, VOCAB, dtype=jnp.int64 if jax.config.jax_enable_x64 else jnp.int32)
    lut = jax.random.normal(k2, (VOCAB, D_MODEL), dtype=jnp.float32)
    return {"x": x, "lut": lut}

def reference(x, lut):
    # noise_mask is None in this configuration, so the noise branch is skipped.
    embedds = jnp.take(lut, x, axis=0)
    embedds = embedds * math.sqrt(D_MODEL)
    return embedds * math.sqrt(D_MODEL)

if __name__ == "__main__":
    import jax
    _d = setup_inputs()
    print(jax.jit(kernel)(*tuple(_d.values())))

</pallas_src>

<mosaic_0001>
#map = affine_map<(d0, d1) -> (0, 0, 0)>
#map1 = affine_map<(d0, d1) -> (0, 0)>
module attributes {stable_mosaic.version = 14 : i64} {
  func.func @k(%arg0: i32, %arg1: i32, %arg2: memref<1600x4x128xi32, #tpu.memory_space<hbm>>, %arg3: memref<1000000x64xf32, #tpu.memory_space<hbm>>, %arg4: memref<50x16384x64xf32, #tpu.memory_space<hbm>>, %arg5: memref<50x4x128xi32, #tpu.memory_space<vmem>>, %arg6: memref<3x512x64xf32, #tpu.memory_space<vmem>>, %arg7: memref<3x!tpu.dma_semaphore, #tpu.memory_space<semaphore_mem>>, %arg8: memref<3x!tpu.dma_semaphore, #tpu.memory_space<semaphore_mem>>) attributes {dimension_semantics = [#tpu.dimension_semantics<core_parallel>, #tpu.dimension_semantics<subcore_parallel>], iteration_bounds = array<i64: 2, 16>, scalar_prefetch = 0 : i64, scratch_operands = 4 : i64, tpu.core_type = #tpu.core_type<sc_vector_subcore>, window_params = [{transform_indices = #map}, {transform_indices = #map1}, {transform_indices = #map}]} {
    %mul3A = arith.constant 2 : i32
    %mul3A_0 = arith.muli %arg1, %mul3A : i32
    %add3A = arith.addi %mul3A_0, %arg0 : i32
    %mul3A_1 = arith.constant 50 : i32
    %mul3A_2 = arith.muli %add3A, %mul3A_1 : i32
    "tpu.region"() ({
      %run_scoped3A = tpu.sem_alloc : memref<!tpu.dma_semaphore, #tpu.memory_space<semaphore_mem>>
      %dma_start3A_377 = arith.constant 0 : i32
      %dma_start3A_378 = arith.constant 0 : i32
      %dma_start3A_379 = tpu.memref_slice %arg2[%mul3A_2, %dma_start3A_377, %dma_start3A_378] : memref<1600x4x128xi32, #tpu.memory_space<hbm>> -> memref<50x4x128xi32, #tpu.memory_space<hbm>>
      %dma_start3A_380 = arith.constant 0 : i32
      %dma_start3A_381 = arith.constant 0 : i32
      %dma_start3A_382 = tpu.memref_slice %arg2[%mul3A_2, %dma_start3A_380, %dma_start3A_381] : memref<1600x4x128xi32, #tpu.memory_space<hbm>> -> memref<50x4x128xi32, #tpu.memory_space<hbm>>
      tpu.enqueue_dma source(%dma_start3A_382 : memref<50x4x128xi32, #tpu.memory_space<hbm>>) target(%arg5 : memref<50x4x128xi32, #tpu.memory_space<vmem>>) target_semaphore(%run_scoped3A : memref<!tpu.dma_semaphore, #tpu.memory_space<semaphore_mem>>)
      %dma_wait3A_383 = arith.constant 0 : i32
      %dma_wait3A_384 = arith.constant 0 : i32
      %dma_wait3A_385 = tpu.memref_slice %arg2[%mul3A_2, %dma_wait3A_383, %dma_wait3A_384] : memref<1600x4x128xi32, #tpu.memory_space<hbm>> -> memref<50x4x128xi32, #tpu.memory_space<hbm>>
      %dma_wait3A_386 = arith.constant 0 : i32
      %dma_wait3A_387 = arith.constant 0 : i32
      %dma_wait3A_388 = tpu.memref_slice %arg2[%mul3A_2, %dma_wait3A_386, %dma_wait3A_387] : memref<1600x4x128xi32, #tpu.memory_space<hbm>> -> memref<50x4x128xi32, #tpu.memory_space<hbm>>
      tpu.wait_dma2 semaphore(%run_scoped3A : memref<!tpu.dma_semaphore, #tpu.memory_space<semaphore_mem>>) src(%dma_wait3A_388 : memref<50x4x128xi32, #tpu.memory_space<hbm>>) dst(%arg5 : memref<50x4x128xi32, #tpu.memory_space<vmem>>)
      tpu.yield
    }) : () -> ()
    %dma_start3A = arith.constant 0 : i32
    %dma_start3A_3 = arith.constant 0 : i32
    %dma_start3A_4 = arith.constant 0 : i32
    %dma_start3A_5 = arith.constant 0 : i32
    %dma_start3A_6 = arith.constant 0 : i32
    %dma_start3A_7 = arith.constant 0 : i32
    %dma_start3A_8 = tpu.memref_slice %arg6[%dma_start3A_4, %dma_start3A_6, %dma_start3A_7] : memref<3x512x64xf32, #tpu.memory_space<vmem>> -> memref<1x128x64xf32, #tpu.memory_space<vmem>>
    %dma_start3A_9 = tpu.memref_squeeze %dma_start3A_8 : memref<1x128x64xf32, #tpu.memory_space<vmem>> -> memref<128x64xf32, #tpu.memory_space<vmem>>
    %dma_start3A_10 = arith.constant 0 : i32
    %dma_start3A_11 = tpu.memref_slice %arg5[%dma_start3A, %dma_start3A_3, %dma_start3A_10] : memref<50x4x128xi32, #tpu.memory_space<vmem>> -> memref<1x1x128xi32, #tpu.memory_space<vmem>>
    %dma_start3A_12 = tpu.memref_squeeze %dma_start3A_11 : memref<1x1x128xi32, #tpu.memory_space<vmem>> -> memref<128xi32, #tpu.memory_space<vmem>>
    %dma_start3A_13 = arith.constant 0 : i32
    %dma_start3A_14 = arith.constant 0 : i32
    %dma_start3A_15 = tpu.memref_slice %arg3[%dma_start3A_13, %dma_start3A_14] : memref<1000000x64xf32, #tpu.memory_space<hbm>> -> memref<1000000x64xf32, #tpu.memory_space<hbm>>
    %dma_start3A_16 = tpu.memref_slice %arg7[%dma_start3A_5] : memref<3x!tpu.dma_semaphore, #tpu.memory_space<semaphore_mem>> -> memref<1x!tpu.dma_semaphore, #tpu.memory_space<semaphore_mem>>
    %dma_start3A_17 = tpu.memref_squeeze %dma_start3A_16 : memref<1x!tpu.dma_semaphore, #tpu.memory_space<semaphore_mem>> -> memref<!tpu.dma_semaphore, #tpu.memory_space<semaphore_mem>>
    tpu.enqueue_indirect_dma source(%dma_start3A_15 : memref<1000000x64xf32, #tpu.memory_space<hbm>>) target(%dma_start3A_9 : memref<128x64xf32, #tpu.memory_space<vmem>>) offsets(%dma_start3A_12 : memref<128xi32, #tpu.memory_space<vmem>>) semaphore(%dma_start3A_17 : memref<!tpu.dma_semaphore, #tpu.memory_space<semaphore_mem>>)
    %dma_start3A_18 = arith.constant 0 : i32
    %dma_start3A_19 = arith.constant 1 : i32
    %dma_start3A_20 = arith.constant 0 : i32
    %dma_start3A_21 = arith.constant 0 : i32
    %dma_start3A_22 = arith.constant 128 : i32
    %dma_start3A_23 = arith.constant 0 : i32
    %dma_start3A_24 = tpu.memref_slice %arg6[%dma_start3A_20, %dma_start3A_22, %dma_start3A_23] : memref<3x512x64xf32, #tpu.memory_space<vmem>> -> memref<1x128x64xf32, #tpu.memory_space<vmem>>
    %dma_start3A_25 = tpu.memref_squeeze %dma_start3A_24 : memref<1x128x64xf32, #tpu.memory_space<vmem>> -> memref<128x64xf32, #tpu.memory_space<vmem>>
    %dma_start3A_26 = arith.constant 0 : i32
    %dma_start3A_27 = tpu.memref_slice %arg5[%dma_start3A_18, %dma_start3A_19, %dma_start3A_26] : memref<50x4x128xi32, #tpu.memory_space<vmem>> -> memref<1x1x128xi32, #tpu.memory_space<vmem>>
    %dma_start3A_28 = tpu.memref_squeeze %dma_start3A_27 : memref<1x1x128xi32, #tpu.memory_space<vmem>> -> memref<128xi32, #tpu.memory_space<vmem>>
    %dma_start3A_29 = arith.constant 0 : i32
    %dma_start3A_30 = arith.constant 0 : i32
    %dma_start3A_31 = tpu.memref_slice %arg3[%dma_start3A_29, %dma_start3A_30] : memref<1000000x64xf32, #tpu.memory_space<hbm>> -> memref<1000000x64xf32, #tpu.memory_space<hbm>>
    %dma_start3A_32 = tpu.memref_slice %arg7[%dma_start3A_21] : memref<3x!tpu.dma_semaphore, #tpu.memory_space<semaphore_mem>> -> memref<1x!tpu.dma_semaphore, #tpu.memory_space<semaphore_mem>>
    %dma_start3A_33 = tpu.memref_squeeze %dma_start3A_32 : memref<1x!tpu.dma_semaphore, #tpu.memory_space<semaphore_mem>> -> memref<!tpu.dma_semaphore, #tpu.memory_space<semaphore_mem>>
    tpu.enqueue_indirect_dma source(%dma_start3A_31 : memref<1000000x64xf32, #tpu.memory_space<hbm>>) target(%dma_start3A_25 : memref<128x64xf32, #tpu.memory_space<vmem>>) offsets(%dma_start3A_28 : memref<128xi32, #tpu.memory_space<vmem>>) semaphore(%dma_start3A_33 : memref<!tpu.dma_semaphore, #tpu.memory_space<semaphore_mem>>)
    %dma_start3A_34 = arith.constant 0 : i32
    %dma_start3A_35 = arith.constant 2 : i32
    %dma_start3A_36 = arith.constant 0 : i32
    %dma_start3A_37 = arith.constant 0 : i32
    %dma_start3A_38 = arith.constant 256 : i32
    %dma_start3A_39 = arith.constant 0 : i32
    %dma_start3A_40 = tpu.memref_slice %arg6[%dma_start3A_36, %dma_start3A_38, %dma_start3A_39] : memref<3x512x64xf32, #tpu.memory_space<vmem>> -> memref<1x128x64xf32, #tpu.memory_space<vmem>>
    %dma_start3A_41 = tpu.memref_squeeze %dma_start3A_40 : memref<1x128x64xf32, #tpu.memory_space<vmem>> -> memref<128x64xf32, #tpu.memory_space<vmem>>
    %dma_start3A_42 = arith.constant 0 : i32
    %dma_start3A_43 = tpu.memref_slice %arg5[%dma_start3A_34, %dma_start3A_35, %dma_start3A_42] : memref<50x4x128xi32, #tpu.memory_space<vmem>> -> memref<1x1x128xi32, #tpu.memory_space<vmem>>
    %dma_start3A_44 = tpu.memref_squeeze %dma_start3A_43 : memref<1x1x128xi32, #tpu.memory_space<vmem>> -> memref<128xi32, #tpu.memory_space<vmem>>
    %dma_start3A_45 = arith.constant 0 : i32
    %dma_start3A_46 = arith.constant 0 : i32
    %dma_start3A_47 = tpu.memref_slice %arg3[%dma_start3A_45, %dma_start3A_46] : memref<1000000x64xf32, #tpu.memory_space<hbm>> -> memref<1000000x64xf32, #tpu.memory_space<hbm>>
    %dma_start3A_48 = tpu.memref_slice %arg7[%dma_start3A_37] : memref<3x!tpu.dma_semaphore, #tpu.memory_space<semaphore_mem>> -> memref<1x!tpu.dma_semaphore, #tpu.memory_space<semaphore_mem>>
    %dma_start3A_49 = tpu.memref_squeeze %dma_start3A_48 : memref<1x!tpu.dma_semaphore, #tpu.memory_space<semaphore_mem>> -> memref<!tpu.dma_semaphore, #tpu.memory_space<semaphore_mem>>
    tpu.enqueue_indirect_dma source(%dma_start3A_47 : memref<1000000x64xf32, #tpu.memory_space<hbm>>) target(%dma_start3A_41 : memref<128x64xf32, #tpu.memory_space<vmem>>) offsets(%dma_start3A_44 : memref<128xi32, #tpu.memory_space<vmem>>) semaphore(%dma_start3A_49 : memref<!tpu.dma_semaphore, #tpu.memory_space<semaphore_mem>>)
    %dma_start3A_50 = arith.constant 0 : i32
    %dma_start3A_51 = arith.constant 3 : i32
    %dma_start3A_52 = arith.constant 0 : i32
    %dma_start3A_53 = arith.constant 0 : i32
    %dma_start3A_54 = arith.constant 384 : i32
    %dma_start3A_55 = arith.constant 0 : i32
    %dma_start3A_56 = tpu.memref_slice %arg6[%dma_start3A_52, %dma_start3A_54, %dma_start3A_55] : memref<3x512x64xf32, #tpu.memory_space<vmem>> -> memref<1x128x64xf32, #tpu.memory_space<vmem>>
    %dma_start3A_57 = tpu.memref_squeeze %dma_start3A_56 : memref<1x128x64xf32, #tpu.memory_space<vmem>> -> memref<128x64xf32, #tpu.memory_space<vmem>>
    %dma_start3A_58 = arith.constant 0 : i32
    %dma_start3A_59 = tpu.memref_slice %arg5[%dma_start3A_50, %dma_start3A_51, %dma_start3A_58] : memref<50x4x128xi32, #tpu.memory_space<vmem>> -> memref<1x1x128xi32, #tpu.memory_space<vmem>>
    %dma_start3A_60 = tpu.memref_squeeze %dma_start3A_59 : memref<1x1x128xi32, #tpu.memory_space<vmem>> -> memref<128xi32, #tpu.memory_space<vmem>>
    %dma_start3A_61 = arith.constant 0 : i32
    %dma_start3A_62 = arith.constant 0 : i32
    %dma_start3A_63 = tpu.memref_slice %arg3[%dma_start3A_61, %dma_start3A_62] : memref<1000000x64xf32, #tpu.memory_space<hbm>> -> memref<1000000x64xf32, #tpu.memory_space<hbm>>
    %dma_start3A_64 = tpu.memref_slice %arg7[%dma_start3A_53] : memref<3x!tpu.dma_semaphore, #tpu.memory_space<semaphore_mem>> -> memref<1x!tpu.dma_semaphore, #tpu.memory_space<semaphore_mem>>
    %dma_start3A_65 = tpu.memref_squeeze %dma_start3A_64 : memref<1x!tpu.dma_semaphore, #tpu.memory_space<semaphore_mem>> -> memref<!tpu.dma_semaphore, #tpu.memory_space<semaphore_mem>>
    tpu.enqueue_indirect_dma source(%dma_start3A_63 : memref<1000000x64xf32, #tpu.memory_space<hbm>>) target(%dma_start3A_57 : memref<128x64xf32, #tpu.memory_space<vmem>>) offsets(%dma_start3A_60 : memref<128xi32, #tpu.memory_space<vmem>>) semaphore(%dma_start3A_65 : memref<!tpu.dma_semaphore, #tpu.memory_space<semaphore_mem>>)
    %dma_start3A_66 = arith.constant 1 : i32
    %dma_start3A_67 = arith.constant 0 : i32
    %dma_start3A_68 = arith.constant 1 : i32
    %dma_start3A_69 = arith.constant 1 : i32
    %dma_start3A_70 = arith.constant 0 : i32
    %dma_start3A_71 = arith.constant 0 : i32
    %dma_start3A_72 = tpu.memref_slice %arg6[%dma_start3A_68, %dma_start3A_70, %dma_start3A_71] : memref<3x512x64xf32, #tpu.memory_space<vmem>> -> memref<1x128x64xf32, #tpu.memory_space<vmem>>
    %dma_start3A_73 = tpu.memref_squeeze %dma_start3A_72 : memref<1x128x64xf32, #tpu.memory_space<vmem>> -> memref<128x64xf32, #tpu.memory_space<vmem>>
    %dma_start3A_74 = arith.constant 0 : i32
    %dma_start3A_75 = tpu.memref_slice %arg5[%dma_start3A_66, %dma_start3A_67, %dma_start3A_74] : memref<50x4x128xi32, #tpu.memory_space<vmem>> -> memref<1x1x128xi32, #tpu.memory_space<vmem>>
    %dma_start3A_76 = tpu.memref_squeeze %dma_start3A_75 : memref<1x1x128xi32, #tpu.memory_space<vmem>> -> memref<128xi32, #tpu.memory_space<vmem>>
    %dma_start3A_77 = arith.constant 0 : i32
    %dma_start3A_78 = arith.constant 0 : i32
    %dma_start3A_79 = tpu.memref_slice %arg3[%dma_start3A_77, %dma_start3A_78] : memref<1000000x64xf32, #tpu.memory_space<hbm>> -> memref<1000000x64xf32, #tpu.memory_space<hbm>>
    %dma_start3A_80 = tpu.memref_slice %arg7[%dma_start3A_69] : memref<3x!tpu.dma_semaphore, #tpu.memory_space<semaphore_mem>> -> memref<1x!tpu.dma_semaphore, #tpu.memory_space<semaphore_mem>>
    %dma_start3A_81 = tpu.memref_squeeze %dma_start3A_80 : memref<1x!tpu.dma_semaphore, #tpu.memory_space<semaphore_mem>> -> memref<!tpu.dma_semaphore, #tpu.memory_space<semaphore_mem>>
    tpu.enqueue_indirect_dma source(%dma_start3A_79 : memref<1000000x64xf32, #tpu.memory_space<hbm>>) target(%dma_start3A_73 : memref<128x64xf32, #tpu.memory_space<vmem>>) offsets(%dma_start3A_76 : memref<128xi32, #tpu.memory_space<vmem>>) semaphore(%dma_start3A_81 : memref<!tpu.dma_semaphore, #tpu.memory_space<semaphore_mem>>)
    %dma_start3A_82 = arith.constant 1 : i32
    %dma_start3A_83 = arith.constant 1 : i32
    %dma_start3A_84 = arith.constant 1 : i32
    %dma_start3A_85 = arith.constant 1 : i32
    %dma_start3A_86 = arith.constant 128 : i32
    %dma_start3A_87 = arith.constant 0 : i32
    %dma_start3A_88 = tpu.memref_slice %arg6[%dma_start3A_84, %dma_start3A_86, %dma_start3A_87] : memref<3x512x64xf32, #tpu.memory_space<vmem>> -> memref<1x128x64xf32, #tpu.memory_space<vmem>>
    %dma_start3A_89 = tpu.memref_squeeze %dma_start3A_88 : memref<1x128x64xf32, #tpu.memory_space<vmem>> -> memref<128x64xf32, #tpu.memory_space<vmem>>
    %dma_start3A_90 = arith.constant 0 : i32
    %dma_start3A_91 = tpu.memref_slice %arg5[%dma_start3A_82, %dma_start3A_83, %dma_start3A_90] : memref<50x4x128xi32, #tpu.memory_space<vmem>> -> memref<1x1x128xi32, #tpu.memory_space<vmem>>
    %dma_start3A_92 = tpu.memref_squeeze %dma_start3A_91 : memref<1x1x128xi32, #tpu.memory_space<vmem>> -> memref<128xi32, #tpu.memory_space<vmem>>
    %dma_start3A_93 = arith.constant 0 : i32
    %dma_start3A_94 = arith.constant 0 : i32
    %dma_start3A_95 = tpu.memref_slice %arg3[%dma_start3A_93, %dma_start3A_94] : memref<1000000x64xf32, #tpu.memory_space<hbm>> -> memref<1000000x64xf32, #tpu.memory_space<hbm>>
    %dma_start3A_96 = tpu.memref_slice %arg7[%dma_start3A_85] : memref<3x!tpu.dma_semaphore, #tpu.memory_space<semaphore_mem>> -> memref<1x!tpu.dma_semaphore, #tpu.memory_space<semaphore_mem>>
    %dma_start3A_97 = tpu.memref_squeeze %dma_start3A_96 : memref<1x!tpu.dma_semaphore, #tpu.memory_space<semaphore_mem>> -> memref<!tpu.dma_semaphore, #tpu.memory_space<semaphore_mem>>
    tpu.enqueue_indirect_dma source(%dma_start3A_95 : memref<1000000x64xf32, #tpu.memory_space<hbm>>) target(%dma_start3A_89 : memref<128x64xf32, #tpu.memory_space<vmem>>) offsets(%dma_start3A_92 : memref<128xi32, #tpu.memory_space<vmem>>) semaphore(%dma_start3A_97 : memref<!tpu.dma_semaphore, #tpu.memory_space<semaphore_mem>>)
    %dma_start3A_98 = arith.constant 1 : i32
    %dma_start3A_99 = arith.constant 2 : i32
    %dma_start3A_100 = arith.constant 1 : i32
    %dma_start3A_101 = arith.constant 1 : i32
    %dma_start3A_102 = arith.constant 256 : i32
    %dma_start3A_103 = arith.constant 0 : i32
    %dma_start3A_104 = tpu.memref_slice %arg6[%dma_start3A_100, %dma_start3A_102, %dma_start3A_103] : memref<3x512x64xf32, #tpu.memory_space<vmem>> -> memref<1x128x64xf32, #tpu.memory_space<vmem>>
    %dma_start3A_105 = tpu.memref_squeeze %dma_start3A_104 : memref<1x128x64xf32, #tpu.memory_space<vmem>> -> memref<128x64xf32, #tpu.memory_space<vmem>>
    %dma_start3A_106 = arith.constant 0 : i32
    %dma_start3A_107 = tpu.memref_slice %arg5[%dma_start3A_98, %dma_start3A_99, %dma_start3A_106] : memref<50x4x128xi32, #tpu.memory_space<vmem>> -> memref<1x1x128xi32, #tpu.memory_space<vmem>>
    %dma_start3A_108 = tpu.memref_squeeze %dma_start3A_107 : memref<1x1x128xi32, #tpu.memory_space<vmem>> -> memref<128xi32, #tpu.memory_space<vmem>>
    %dma_start3A_109 = arith.constant 0 : i32
    %dma_start3A_110 = arith.constant 0 : i32
    %dma_start3A_111 = tpu.memref_slice %arg3[%dma_start3A_109, %dma_start3A_110] : memref<1000000x64xf32, #tpu.memory_space<hbm>> -> memref<1000000x64xf32, #tpu.memory_space<hbm>>
    %dma_start3A_112 = tpu.memref_slice %arg7[%dma_start3A_101] : memref<3x!tpu.dma_semaphore, #tpu.memory_space<semaphore_mem>> -> memref<1x!tpu.dma_semaphore, #tpu.memory_space<semaphore_mem>>
    %dma_start3A_113 = tpu.memref_squeeze %dma_start3A_112 : memref<1x!tpu.dma_semaphore, #tpu.memory_space<semaphore_mem>> -> memref<!tpu.dma_semaphore, #tpu.memory_space<semaphore_mem>>
    tpu.enqueue_indirect_dma source(%dma_start3A_111 : memref<1000000x64xf32, #tpu.memory_space<hbm>>) target(%dma_start3A_105 : memref<128x64xf32, #tpu.memory_space<vmem>>) offsets(%dma_start3A_108 : memref<128xi32, #tpu.memory_space<vmem>>) semaphore(%dma_start3A_113 : memref<!tpu.dma_semaphore, #tpu.memory_space<semaphore_mem>>)
    %dma_start3A_114 = arith.constant 1 : i32
    %dma_start3A_115 = arith.constant 3 : i32
    %dma_start3A_116 = arith.constant 1 : i32
    %dma_start3A_117 = arith.constant 1 : i32
    %dma_start3A_118 = arith.constant 384 : i32
    %dma_start3A_119 = arith.constant 0 : i32
    %dma_start3A_120 = tpu.memref_slice %arg6[%dma_start3A_116, %dma_start3A_118, %dma_start3A_119] : memref<3x512x64xf32, #tpu.memory_space<vmem>> -> memref<1x128x64xf32, #tpu.memory_space<vmem>>
    %dma_start3A_121 = tpu.memref_squeeze %dma_start3A_120 : memref<1x128x64xf32, #tpu.memory_space<vmem>> -> memref<128x64xf32, #tpu.memory_space<vmem>>
    %dma_start3A_122 = arith.constant 0 : i32
    %dma_start3A_123 = tpu.memref_slice %arg5[%dma_start3A_114, %dma_start3A_115, %dma_start3A_122] : memref<50x4x128xi32, #tpu.memory_space<vmem>> -> memref<1x1x128xi32, #tpu.memory_space<vmem>>
    %dma_start3A_124 = tpu.memref_squeeze %dma_start3A_123 : memref<1x1x128xi32, #tpu.memory_space<vmem>> -> memref<128xi32, #tpu.memory_space<vmem>>
    %dma_start3A_125 = arith.constant 0 : i32
    %dma_start3A_126 = arith.constant 0 : i32
    %dma_start3A_127 = tpu.memref_slice %arg3[%dma_start3A_125, %dma_start3A_126] : memref<1000000x64xf32, #tpu.memory_space<hbm>> -> memref<1000000x64xf32, #tpu.memory_space<hbm>>
    %dma_start3A_128 = tpu.memref_slice %arg7[%dma_start3A_117] : memref<3x!tpu.dma_semaphore, #tpu.memory_space<semaphore_mem>> -> memref<1x!tpu.dma_semaphore, #tpu.memory_space<semaphore_mem>>
    %dma_start3A_129 = tpu.memref_squeeze %dma_start3A_128 : memref<1x!tpu.dma_semaphore, #tpu.memory_space<semaphore_mem>> -> memref<!tpu.dma_semaphore, #tpu.memory_space<semaphore_mem>>
    tpu.enqueue_indirect_dma source(%dma_start3A_127 : memref<1000000x64xf32, #tpu.memory_space<hbm>>) target(%dma_start3A_121 : memref<128x64xf32, #tpu.memory_space<vmem>>) offsets(%dma_start3A_124 : memref<128xi32, #tpu.memory_space<vmem>>) semaphore(%dma_start3A_129 : memref<!tpu.dma_semaphore, #tpu.memory_space<semaphore_mem>>)
    %dma_start3A_130 = arith.constant 2 : i32
    %dma_start3A_131 = arith.constant 0 : i32
    %dma_start3A_132 = arith.constant 2 : i32
    %dma_start3A_133 = arith.constant 2 : i32
    %dma_start3A_134 = arith.constant 0 : i32
    %dma_start3A_135 = arith.constant 0 : i32
    %dma_start3A_136 = tpu.memref_slice %arg6[%dma_start3A_132, %dma_start3A_134, %dma_start3A_135] : memref<3x512x64xf32, #tpu.memory_space<vmem>> -> memref<1x128x64xf32, #tpu.memory_space<vmem>>
    %dma_start3A_137 = tpu.memref_squeeze %dma_start3A_136 : memref<1x128x64xf32, #tpu.memory_space<vmem>> -> memref<128x64xf32, #tpu.memory_space<vmem>>
    %dma_start3A_138 = arith.constant 0 : i32
    %dma_start3A_139 = tpu.memref_slice %arg5[%dma_start3A_130, %dma_start3A_131, %dma_start3A_138] : memref<50x4x128xi32, #tpu.memory_space<vmem>> -> memref<1x1x128xi32, #tpu.memory_space<vmem>>
    %dma_start3A_140 = tpu.memref_squeeze %dma_start3A_139 : memref<1x1x128xi32, #tpu.memory_space<vmem>> -> memref<128xi32, #tpu.memory_space<vmem>>
    %dma_start3A_141 = arith.constant 0 : i32
    %dma_start3A_142 = arith.constant 0 : i32
    %dma_start3A_143 = tpu.memref_slice %arg3[%dma_start3A_141, %dma_start3A_142] : memref<1000000x64xf32, #tpu.memory_space<hbm>> -> memref<1000000x64xf32, #tpu.memory_space<hbm>>
    %dma_start3A_144 = tpu.memref_slice %arg7[%dma_start3A_133] : memref<3x!tpu.dma_semaphore, #tpu.memory_space<semaphore_mem>> -> memref<1x!tpu.dma_semaphore, #tpu.memory_space<semaphore_mem>>
    %dma_start3A_145 = tpu.memref_squeeze %dma_start3A_144 : memref<1x!tpu.dma_semaphore, #tpu.memory_space<semaphore_mem>> -> memref<!tpu.dma_semaphore, #tpu.memory_space<semaphore_mem>>
    tpu.enqueue_indirect_dma source(%dma_start3A_143 : memref<1000000x64xf32, #tpu.memory_space<hbm>>) target(%dma_start3A_137 : memref<128x64xf32, #tpu.memory_space<vmem>>) offsets(%dma_start3A_140 : memref<128xi32, #tpu.memory_space<vmem>>) semaphore(%dma_start3A_145 : memref<!tpu.dma_semaphore, #tpu.memory_space<semaphore_mem>>)
    %dma_start3A_146 = arith.constant 2 : i32
    %dma_start3A_147 = arith.constant 1 : i32
    %dma_start3A_148 = arith.constant 2 : i32
    %dma_start3A_149 = arith.constant 2 : i32
    %dma_start3A_150 = arith.constant 128 : i32
    %dma_start3A_151 = arith.constant 0 : i32
    %dma_start3A_152 = tpu.memref_slice %arg6[%dma_start3A_148, %dma_start3A_150, %dma_start3A_151] : memref<3x512x64xf32, #tpu.memory_space<vmem>> -> memref<1x128x64xf32, #tpu.memory_space<vmem>>
    %dma_start3A_153 = tpu.memref_squeeze %dma_start3A_152 : memref<1x128x64xf32, #tpu.memory_space<vmem>> -> memref<128x64xf32, #tpu.memory_space<vmem>>
    %dma_start3A_154 = arith.constant 0 : i32
    %dma_start3A_155 = tpu.memref_slice %arg5[%dma_start3A_146, %dma_start3A_147, %dma_start3A_154] : memref<50x4x128xi32, #tpu.memory_space<vmem>> -> memref<1x1x128xi32, #tpu.memory_space<vmem>>
    %dma_start3A_156 = tpu.memref_squeeze %dma_start3A_155 : memref<1x1x128xi32, #tpu.memory_space<vmem>> -> memref<128xi32, #tpu.memory_space<vmem>>
    %dma_start3A_157 = arith.constant 0 : i32
    %dma_start3A_158 = arith.constant 0 : i32
    %dma_start3A_159 = tpu.memref_slice %arg3[%dma_start3A_157, %dma_start3A_158] : memref<1000000x64xf32, #tpu.memory_space<hbm>> -> memref<1000000x64xf32, #tpu.memory_space<hbm>>
    %dma_start3A_160 = tpu.memref_slice %arg7[%dma_start3A_149] : memref<3x!tpu.dma_semaphore, #tpu.memory_space<semaphore_mem>> -> memref<1x!tpu.dma_semaphore, #tpu.memory_space<semaphore_mem>>
    %dma_start3A_161 = tpu.memref_squeeze %dma_start3A_160 : memref<1x!tpu.dma_semaphore, #tpu.memory_space<semaphore_mem>> -> memref<!tpu.dma_semaphore, #tpu.memory_space<semaphore_mem>>
    tpu.enqueue_indirect_dma source(%dma_start3A_159 : memref<1000000x64xf32, #tpu.memory_space<hbm>>) target(%dma_start3A_153 : memref<128x64xf32, #tpu.memory_space<vmem>>) offsets(%dma_start3A_156 : memref<128xi32, #tpu.memory_space<vmem>>) semaphore(%dma_start3A_161 : memref<!tpu.dma_semaphore, #tpu.memory_space<semaphore_mem>>)
    %dma_start3A_162 = arith.constant 2 : i32
    %dma_start3A_163 = arith.constant 2 : i32
    %dma_start3A_164 = arith.constant 2 : i32
    %dma_start3A_165 = arith.constant 2 : i32
    %dma_start3A_166 = arith.constant 256 : i32
    %dma_start3A_167 = arith.constant 0 : i32
    %dma_start3A_168 = tpu.memref_slice %arg6[%dma_start3A_164, %dma_start3A_166, %dma_start3A_167] : memref<3x512x64xf32, #tpu.memory_space<vmem>> -> memref<1x128x64xf32, #tpu.memory_space<vmem>>
    %dma_start3A_169 = tpu.memref_squeeze %dma_start3A_168 : memref<1x128x64xf32, #tpu.memory_space<vmem>> -> memref<128x64xf32, #tpu.memory_space<vmem>>
    %dma_start3A_170 = arith.constant 0 : i32
    %dma_start3A_171 = tpu.memref_slice %arg5[%dma_start3A_162, %dma_start3A_163, %dma_start3A_170] : memref<50x4x128xi32, #tpu.memory_space<vmem>> -> memref<1x1x128xi32, #tpu.memory_space<vmem>>
    %dma_start3A_172 = tpu.memref_squeeze %dma_start3A_171 : memref<1x1x128xi32, #tpu.memory_space<vmem>> -> memref<128xi32, #tpu.memory_space<vmem>>
    %dma_start3A_173 = arith.constant 0 : i32
    %dma_start3A_174 = arith.constant 0 : i32
    %dma_start3A_175 = tpu.memref_slice %arg3[%dma_start3A_173, %dma_start3A_174] : memref<1000000x64xf32, #tpu.memory_space<hbm>> -> memref<1000000x64xf32, #tpu.memory_space<hbm>>
    %dma_start3A_176 = tpu.memref_slice %arg7[%dma_start3A_165] : memref<3x!tpu.dma_semaphore, #tpu.memory_space<semaphore_mem>> -> memref<1x!tpu.dma_semaphore, #tpu.memory_space<semaphore_mem>>
    %dma_start3A_177 = tpu.memref_squeeze %dma_start3A_176 : memref<1x!tpu.dma_semaphore, #tpu.memory_space<semaphore_mem>> -> memref<!tpu.dma_semaphore, #tpu.memory_space<semaphore_mem>>
    tpu.enqueue_indirect_dma source(%dma_start3A_175 : memref<1000000x64xf32, #tpu.memory_space<hbm>>) target(%dma_start3A_169 : memref<128x64xf32, #tpu.memory_space<vmem>>) offsets(%dma_start3A_172 : memref<128xi32, #tpu.memory_space<vmem>>) semaphore(%dma_start3A_177 : memref<!tpu.dma_semaphore, #tpu.memory_space<semaphore_mem>>)
    %dma_start3A_178 = arith.constant 2 : i32
    %dma_start3A_179 = arith.constant 3 : i32
    %dma_start3A_180 = arith.constant 2 : i32
    %dma_start3A_181 = arith.constant 2 : i32
    %dma_start3A_182 = arith.constant 384 : i32
    %dma_start3A_183 = arith.constant 0 : i32
    %dma_start3A_184 = tpu.memref_slice %arg6[%dma_start3A_180, %dma_start3A_182, %dma_start3A_183] : memref<3x512x64xf32, #tpu.memory_space<vmem>> -> memref<1x128x64xf32, #tpu.memory_space<vmem>>
    %dma_start3A_185 = tpu.memref_squeeze %dma_start3A_184 : memref<1x128x64xf32, #tpu.memory_space<vmem>> -> memref<128x64xf32, #tpu.memory_space<vmem>>
    %dma_start3A_186 = arith.constant 0 : i32
    %dma_start3A_187 = tpu.memref_slice %arg5[%dma_start3A_178, %dma_start3A_179, %dma_start3A_186] : memref<50x4x128xi32, #tpu.memory_space<vmem>> -> memref<1x1x128xi32, #tpu.memory_space<vmem>>
    %dma_start3A_188 = tpu.memref_squeeze %dma_start3A_187 : memref<1x1x128xi32, #tpu.memory_space<vmem>> -> memref<128xi32, #tpu.memory_space<vmem>>
    %dma_start3A_189 = arith.constant 0 : i32
    %dma_start3A_190 = arith.constant 0 : i32
    %dma_start3A_191 = tpu.memref_slice %arg3[%dma_start3A_189, %dma_start3A_190] : memref<1000000x64xf32, #tpu.memory_space<hbm>> -> memref<1000000x64xf32, #tpu.memory_space<hbm>>
    %dma_start3A_192 = tpu.memref_slice %arg7[%dma_start3A_181] : memref<3x!tpu.dma_semaphore, #tpu.memory_space<semaphore_mem>> -> memref<1x!tpu.dma_semaphore, #tpu.memory_space<semaphore_mem>>
    %dma_start3A_193 = tpu.memref_squeeze %dma_start3A_192 : memref<1x!tpu.dma_semaphore, #tpu.memory_space<semaphore_mem>> -> memref<!tpu.dma_semaphore, #tpu.memory_space<semaphore_mem>>
    tpu.enqueue_indirect_dma source(%dma_start3A_191 : memref<1000000x64xf32, #tpu.memory_space<hbm>>) target(%dma_start3A_185 : memref<128x64xf32, #tpu.memory_space<vmem>>) offsets(%dma_start3A_188 : memref<128xi32, #tpu.memory_space<vmem>>) semaphore(%dma_start3A_193 : memref<!tpu.dma_semaphore, #tpu.memory_space<semaphore_mem>>)
    %scan3A = arith.constant 0 : i32
    %scan3A_194 = arith.constant 0 : i32
    %scan3A_195 = arith.constant 50 : i32
    %scan3A_196 = arith.addi %scan3A_194, %scan3A_195 : i32
    %scan3A_197 = arith.constant 1 : i32
    scf.for %scan3A_377 = %scan3A_194 to %scan3A_196 step %scan3A_197  : i32 {
      %rem3A_378 = arith.constant 3 : i32
      %rem3A_379 = arith.remsi %scan3A_377, %rem3A_378 : i32
      %dma_wait3A_380 = arith.constant 0 : i32
      %dma_wait3A_381 = arith.constant 0 : i32
      %dma_wait3A_382 = arith.constant 0 : i32
      %dma_wait3A_383 = tpu.memref_slice %arg6[%rem3A_379, %dma_wait3A_381, %dma_wait3A_382] : memref<3x512x64xf32, #tpu.memory_space<vmem>> -> memref<1x128x64xf32, #tpu.memory_space<vmem>>
      %dma_wait3A_384 = tpu.memref_squeeze %dma_wait3A_383 : memref<1x128x64xf32, #tpu.memory_space<vmem>> -> memref<128x64xf32, #tpu.memory_space<vmem>>
      %dma_wait3A_385 = arith.constant 0 : i32
      %dma_wait3A_386 = tpu.memref_slice %arg5[%scan3A_377, %dma_wait3A_380, %dma_wait3A_385] : memref<50x4x128xi32, #tpu.memory_space<vmem>> -> memref<1x1x128xi32, #tpu.memory_space<vmem>>
      %dma_wait3A_387 = tpu.memref_squeeze %dma_wait3A_386 : memref<1x1x128xi32, #tpu.memory_space<vmem>> -> memref<128xi32, #tpu.memory_space<vmem>>
      %dma_wait3A_388 = arith.constant 0 : i32
      %dma_wait3A_389 = arith.constant 0 : i32
      %dma_wait3A_390 = tpu.memref_slice %arg3[%dma_wait3A_388, %dma_wait3A_389] : memref<1000000x64xf32, #tpu.memory_space<hbm>> -> memref<1000000x64xf32, #tpu.memory_space<hbm>>
      %dma_wait3A_391 = tpu.memref_slice %arg7[%rem3A_379] : memref<3x!tpu.dma_semaphore, #tpu.memory_space<semaphore_mem>> -> memref<1x!tpu.dma_semaphore, #tpu.memory_space<semaphore_mem>>
      %dma_wait3A_392 = tpu.memref_squeeze %dma_wait3A_391 : memref<1x!tpu.dma_semaphore, #tpu.memory_space<semaphore_mem>> -> memref<!tpu.dma_semaphore, #tpu.memory_space<semaphore_mem>>
      tpu.wait_indirect_dma semaphore(%dma_wait3A_392 : memref<!tpu.dma_semaphore, #tpu.memory_space<semaphore_mem>>) src(%dma_wait3A_390 : memref<1000000x64xf32, #tpu.memory_space<hbm>>) dst(%dma_wait3A_384 : memref<128x64xf32, #tpu.memory_space<vmem>>)
      %dma_wait3A_393 = arith.constant 1 : i32
      %dma_wait3A_394 = arith.constant 128 : i32
      %dma_wait3A_395 = arith.constant 0 : i32
      %dma_wait3A_396 = tpu.memref_slice %arg6[%rem3A_379, %dma_wait3A_394, %dma_wait3A_395] : memref<3x512x64xf32, #tpu.memory_space<vmem>> -> memref<1x128x64xf32, #tpu.memory_space<vmem>>
      %dma_wait3A_397 = tpu.memref_squeeze %dma_wait3A_396 : memref<1x128x64xf32, #tpu.memory_space<vmem>> -> memref<128x64xf32, #tpu.memory_space<vmem>>
      %dma_wait3A_398 = arith.constant 0 : i32
      %dma_wait3A_399 = tpu.memref_slice %arg5[%scan3A_377, %dma_wait3A_393, %dma_wait3A_398] : memref<50x4x128xi32, #tpu.memory_space<vmem>> -> memref<1x1x128xi32, #tpu.memory_space<vmem>>
      %dma_wait3A_400 = tpu.memref_squeeze %dma_wait3A_399 : memref<1x1x128xi32, #tpu.memory_space<vmem>> -> memref<128xi32, #tpu.memory_space<vmem>>
      %dma_wait3A_401 = arith.constant 0 : i32
      %dma_wait3A_402 = arith.constant 0 : i32
      %dma_wait3A_403 = tpu.memref_slice %arg3[%dma_wait3A_401, %dma_wait3A_402] : memref<1000000x64xf32, #tpu.memory_space<hbm>> -> memref<1000000x64xf32, #tpu.memory_space<hbm>>
      %dma_wait3A_404 = tpu.memref_slice %arg7[%rem3A_379] : memref<3x!tpu.dma_semaphore, #tpu.memory_space<semaphore_mem>> -> memref<1x!tpu.dma_semaphore, #tpu.memory_space<semaphore_mem>>
      %dma_wait3A_405 = tpu.memref_squeeze %dma_wait3A_404 : memref<1x!tpu.dma_semaphore, #tpu.memory_space<semaphore_mem>> -> memref<!tpu.dma_semaphore, #tpu.memory_space<semaphore_mem>>
      tpu.wait_indirect_dma semaphore(%dma_wait3A_405 : memref<!tpu.dma_semaphore, #tpu.memory_space<semaphore_mem>>) src(%dma_wait3A_403 : memref<1000000x64xf32, #tpu.memory_space<hbm>>) dst(%dma_wait3A_397 : memref<128x64xf32, #tpu.memory_space<vmem>>)
      %dma_wait3A_406 = arith.constant 2 : i32
      %dma_wait3A_407 = arith.constant 256 : i32
      %dma_wait3A_408 = arith.constant 0 : i32
      %dma_wait3A_409 = tpu.memref_slice %arg6[%rem3A_379, %dma_wait3A_407, %dma_wait3A_408] : memref<3x512x64xf32, #tpu.memory_space<vmem>> -> memref<1x128x64xf32, #tpu.memory_space<vmem>>
      %dma_wait3A_410 = tpu.memref_squeeze %dma_wait3A_409 : memref<1x128x64xf32, #tpu.memory_space<vmem>> -> memref<128x64xf32, #tpu.memory_space<vmem>>
      %dma_wait3A_411 = arith.constant 0 : i32
      %dma_wait3A_412 = tpu.memref_slice %arg5[%scan3A_377, %dma_wait3A_406, %dma_wait3A_411] : memref<50x4x128xi32, #tpu.memory_space<vmem>> -> memref<1x1x128xi32, #tpu.memory_space<vmem>>
      %dma_wait3A_413 = tpu.memref_squeeze %dma_wait3A_412 : memref<1x1x128xi32, #tpu.memory_space<vmem>> -> memref<128xi32, #tpu.memory_space<vmem>>
      %dma_wait3A_414 = arith.constant 0 : i32
      %dma_wait3A_415 = arith.constant 0 : i32
      %dma_wait3A_416 = tpu.memref_slice %arg3[%dma_wait3A_414, %dma_wait3A_415] : memref<1000000x64xf32, #tpu.memory_space<hbm>> -> memref<1000000x64xf32, #tpu.memory_space<hbm>>
      %dma_wait3A_417 = tpu.memref_slice %arg7[%rem3A_379] : memref<3x!tpu.dma_semaphore, #tpu.memory_space<semaphore_mem>> -> memref<1x!tpu.dma_semaphore, #tpu.memory_space<semaphore_mem>>
      %dma_wait3A_418 = tpu.memref_squeeze %dma_wait3A_417 : memref<1x!tpu.dma_semaphore, #tpu.memory_space<semaphore_mem>> -> memref<!tpu.dma_semaphore, #tpu.memory_space<semaphore_mem>>
      tpu.wait_indirect_dma semaphore(%dma_wait3A_418 : memref<!tpu.dma_semaphore, #tpu.memory_space<semaphore_mem>>) src(%dma_wait3A_416 : memref<1000000x64xf32, #tpu.memory_space<hbm>>) dst(%dma_wait3A_410 : memref<128x64xf32, #tpu.memory_space<vmem>>)
      %dma_wait3A_419 = arith.constant 3 : i32
      %dma_wait3A_420 = arith.constant 384 : i32
      %dma_wait3A_421 = arith.constant 0 : i32
      %dma_wait3A_422 = tpu.memref_slice %arg6[%rem3A_379, %dma_wait3A_420, %dma_wait3A_421] : memref<3x512x64xf32, #tpu.memory_space<vmem>> -> memref<1x128x64xf32, #tpu.memory_space<vmem>>
      %dma_wait3A_423 = tpu.memref_squeeze %dma_wait3A_422 : memref<1x128x64xf32, #tpu.memory_space<vmem>> -> memref<128x64xf32, #tpu.memory_space<vmem>>
      %dma_wait3A_424 = arith.constant 0 : i32
      %dma_wait3A_425 = tpu.memref_slice %arg5[%scan3A_377, %dma_wait3A_419, %dma_wait3A_424] : memref<50x4x128xi32, #tpu.memory_space<vmem>> -> memref<1x1x128xi32, #tpu.memory_space<vmem>>
      %dma_wait3A_426 = tpu.memref_squeeze %dma_wait3A_425 : memref<1x1x128xi32, #tpu.memory_space<vmem>> -> memref<128xi32, #tpu.memory_space<vmem>>
      %dma_wait3A_427 = arith.constant 0 : i32
      %dma_wait3A_428 = arith.constant 0 : i32
      %dma_wait3A_429 = tpu.memref_slice %arg3[%dma_wait3A_427, %dma_wait3A_428] : memref<1000000x64xf32, #tpu.memory_space<hbm>> -> memref<1000000x64xf32, #tpu.memory_space<hbm>>
      %dma_wait3A_430 = tpu.memref_slice %arg7[%rem3A_379] : memref<3x!tpu.dma_semaphore, #tpu.memory_space<semaphore_mem>> -> memref<1x!tpu.dma_semaphore, #tpu.memory_space<semaphore_mem>>
      %dma_wait3A_431 = tpu.memref_squeeze %dma_wait3A_430 : memref<1x!tpu.dma_semaphore, #tpu.memory_space<semaphore_mem>> -> memref<!tpu.dma_semaphore, #tpu.memory_space<semaphore_mem>>
      tpu.wait_indirect_dma semaphore(%dma_wait3A_431 : memref<!tpu.dma_semaphore, #tpu.memory_space<semaphore_mem>>) src(%dma_wait3A_429 : memref<1000000x64xf32, #tpu.memory_space<hbm>>) dst(%dma_wait3A_423 : memref<128x64xf32, #tpu.memory_space<vmem>>)
      %scan3A_432 = arith.constant 0 : i32
      %scan3A_433 = arith.constant 0 : i32
      %scan3A_434 = arith.constant 128 : i32
      %scan3A_435 = arith.addi %scan3A_433, %scan3A_434 : i32
      %scan3A_436 = arith.constant 1 : i32
      scf.for %scan3A_500 = %scan3A_433 to %scan3A_435 step %scan3A_436  : i32 {
        %mul3A_501 = arith.constant 4 : i32
        %mul3A_502 = arith.muli %scan3A_500, %mul3A_501 : i32
        %add3A_503 = arith.constant 0 : i32
        %add3A_504 = arith.addi %mul3A_502, %add3A_503 : i32
        %get3A = arith.index_cast %rem3A_379 : i32 to index
        %get3A_505 = arith.index_cast %add3A_504 : i32 to index
        %get3A_506 = arith.constant 0 : index
        %get3A_507 = tpu.vector_load %arg6[%get3A, %get3A_505, %get3A_506] {strides = array<i32>} : memref<3x512x64xf32, #tpu.memory_space<vmem>>, vector<16xf32>,
        %mul3A_508 = arith.constant 6.400000e+01 : f32
        %mul3A_509 = vector.broadcast %mul3A_508 : f32 to vector<16xf32>
        %mul3A_510 = arith.mulf %get3A_507, %mul3A_509 : vector<16xf32>
        %swap3A = arith.index_cast %rem3A_379 : i32 to index
        %swap3A_511 = arith.index_cast %add3A_504 : i32 to index
        %swap3A_512 = arith.constant 0 : index
        %swap3A_513 = tpu.vector_load %arg6[%swap3A, %swap3A_511, %swap3A_512] {strides = array<i32>} : memref<3x512x64xf32, #tpu.memory_space<vmem>>, vector<16xf32>,
        tpu.vector_store %arg6[%swap3A, %swap3A_511, %swap3A_512], %mul3A_510 {strides = array<i32>} : memref<3x512x64xf32, #tpu.memory_space<vmem>>, vector<16xf32>,
        %get3A_514 = arith.index_cast %rem3A_379 : i32 to index
        %get3A_515 = arith.index_cast %add3A_504 : i32 to index
        %get3A_516 = arith.constant 16 : index
        %get3A_517 = tpu.vector_load %arg6[%get3A_514, %get3A_515, %get3A_516] {strides = array<i32>} : memref<3x512x64xf32, #tpu.memory_space<vmem>>, vector<16xf32>,
        %mul3A_518 = arith.constant 6.400000e+01 : f32
        %mul3A_519 = vector.broadcast %mul3A_518 : f32 to vector<16xf32>
        %mul3A_520 = arith.mulf %get3A_517, %mul3A_519 : vector<16xf32>
        %swap3A_521 = arith.index_cast %rem3A_379 : i32 to index
        %swap3A_522 = arith.index_cast %add3A_504 : i32 to index
        %swap3A_523 = arith.constant 16 : index
        %swap3A_524 = tpu.vector_load %arg6[%swap3A_521, %swap3A_522, %swap3A_523] {strides = array<i32>} : memref<3x512x64xf32, #tpu.memory_space<vmem>>, vector<16xf32>,
        tpu.vector_store %arg6[%swap3A_521, %swap3A_522, %swap3A_523], %mul3A_520 {strides = array<i32>} : memref<3x512x64xf32, #tpu.memory_space<vmem>>, vector<16xf32>,
        %get3A_525 = arith.index_cast %rem3A_379 : i32 to index
        %get3A_526 = arith.index_cast %add3A_504 : i32 to index
        %get3A_527 = arith.constant 32 : index
        %get3A_528 = tpu.vector_load %arg6[%get3A_525, %get3A_526, %get3A_527] {strides = array<i32>} : memref<3x512x64xf32, #tpu.memory_space<vmem>>, vector<16xf32>,
        %mul3A_529 = arith.constant 6.400000e+01 : f32
        %mul3A_530 = vector.broadcast %mul3A_529 : f32 to vector<16xf32>
        %mul3A_531 = arith.mulf %get3A_528, %mul3A_530 : vector<16xf32>
        %swap3A_532 = arith.index_cast %rem3A_379 : i32 to index
        %swap3A_533 = arith.index_cast %add3A_504 : i32 to index
        %swap3A_534 = arith.constant 32 : index
        %swap3A_535 = tpu.vector_load %arg6[%swap3A_532, %swap3A_533, %swap3A_534] {strides = array<i32>} : memref<3x512x64xf32, #tpu.memory_space<vmem>>, vector<16xf32>,
        tpu.vector_store %arg6[%swap3A_532, %swap3A_533, %swap3A_534], %mul3A_531 {strides = array<i32>} : memref<3x512x64xf32, #tpu.memory_space<vmem>>, vector<16xf32>,
        %get3A_536 = arith.index_cast %rem3A_379 : i32 to index
        %get3A_537 = arith.index_cast %add3A_504 : i32 to index
        %get3A_538 = arith.constant 48 : index
        %get3A_539 = tpu.vector_load %arg6[%get3A_536, %get3A_537, %get3A_538] {strides = array<i32>} : memref<3x512x64xf32, #tpu.memory_space<vmem>>, vector<16xf32>,
        %mul3A_540 = arith.constant 6.400000e+01 : f32
        %mul3A_541 = vector.broadcast %mul3A_540 : f32 to vector<16xf32>
        %mul3A_542 = arith.mulf %get3A_539, %mul3A_541 : vector<16xf32>
        %swap3A_543 = arith.index_cast %rem3A_379 : i32 to index
        %swap3A_544 = arith.index_cast %add3A_504 : i32 to index
        %swap3A_545 = arith.constant 48 : index
        %swap3A_546 = tpu.vector_load %arg6[%swap3A_543, %swap3A_544, %swap3A_545] {strides = array<i32>} : memref<3x512x64xf32, #tpu.memory_space<vmem>>, vector<16xf32>,
        tpu.vector_store %arg6[%swap3A_543, %swap3A_544, %swap3A_545], %mul3A_542 {strides = array<i32>} : memref<3x512x64xf32, #tpu.memory_space<vmem>>, vector<16xf32>,
        %add3A_547 = arith.constant 1 : i32
        %add3A_548 = arith.addi %mul3A_502, %add3A_547 : i32
        %get3A_549 = arith.index_cast %rem3A_379 : i32 to index
        %get3A_550 = arith.index_cast %add3A_548 : i32 to index
        %get3A_551 = arith.constant 0 : index
        %get3A_552 = tpu.vector_load %arg6[%get3A_549, %get3A_550, %get3A_551] {strides = array<i32>} : memref<3x512x64xf32, #tpu.memory_space<vmem>>, vector<16xf32>,
        %mul3A_553 = arith.constant 6.400000e+01 : f32
        %mul3A_554 = vector.broadcast %mul3A_553 : f32 to vector<16xf32>
        %mul3A_555 = arith.mulf %get3A_552, %mul3A_554 : vector<16xf32>
        %swap3A_556 = arith.index_cast %rem3A_379 : i32 to index
        %swap3A_557 = arith.index_cast %add3A_548 : i32 to index
        %swap3A_558 = arith.constant 0 : index
        %swap3A_559 = tpu.vector_load %arg6[%swap3A_556, %swap3A_557, %swap3A_558] {strides = array<i32>} : memref<3x512x64xf32, #tpu.memory_space<vmem>>, vector<16xf32>,
        tpu.vector_store %arg6[%swap3A_556, %swap3A_557, %swap3A_558], %mul3A_555 {strides = array<i32>} : memref<3x512x64xf32, #tpu.memory_space<vmem>>, vector<16xf32>,
        %get3A_560 = arith.index_cast %rem3A_379 : i32 to index
        %get3A_561 = arith.index_cast %add3A_548 : i32 to index
        %get3A_562 = arith.constant 16 : index
        %get3A_563 = tpu.vector_load %arg6[%get3A_560, %get3A_561, %get3A_562] {strides = array<i32>} : memref<3x512x64xf32, #tpu.memory_space<vmem>>, vector<16xf32>,
        %mul3A_564 = arith.constant 6.400000e+01 : f32
        %mul3A_565 = vector.broadcast %mul3A_564 : f32 to vector<16xf32>
        %mul3A_566 = arith.mulf %get3A_563, %mul3A_565 : vector<16xf32>
        %swap3A_567 = arith.index_cast %rem3A_379 : i32 to index
        %swap3A_568 = arith.index_cast %add3A_548 : i32 to index
        %swap3A_569 = arith.constant 16 : index
        %swap3A_570 = tpu.vector_load %arg6[%swap3A_567, %swap3A_568, %swap3A_569] {strides = array<i32>} : memref<3x512x64xf32, #tpu.memory_space<vmem>>, vector<16xf32>,
        tpu.vector_store %arg6[%swap3A_567, %swap3A_568, %swap3A_569], %mul3A_566 {strides = array<i32>} : memref<3x512x64xf32, #tpu.memory_space<vmem>>, vector<16xf32>,
        %get3A_571 = arith.index_cast %rem3A_379 : i32 to index
        %get3A_572 = arith.index_cast %add3A_548 : i32 to index
        %get3A_573 = arith.constant 32 : index
        %get3A_574 = tpu.vector_load %arg6[%get3A_571, %get3A_572, %get3A_573] {strides = array<i32>} : memref<3x512x64xf32, #tpu.memory_space<vmem>>, vector<16xf32>,
        %mul3A_575 = arith.constant 6.400000e+01 : f32
        %mul3A_576 = vector.broadcast %mul3A_575 : f32 to vector<16xf32>
        %mul3A_577 = arith.mulf %get3A_574, %mul3A_576 : vector<16xf32>
        %swap3A_578 = arith.index_cast %rem3A_379 : i32 to index
        %swap3A_579 = arith.index_cast %add3A_548 : i32 to index
        %swap3A_580 = arith.constant 32 : index
        %swap3A_581 = tpu.vector_load %arg6[%swap3A_578, %swap3A_579, %swap3A_580] {strides = array<i32>} : memref<3x512x64xf32, #tpu.memory_space<vmem>>, vector<16xf32>,
        tpu.vector_store %arg6[%swap3A_578, %swap3A_579, %swap3A_580], %mul3A_577 {strides = array<i32>} : memref<3x512x64xf32, #tpu.memory_space<vmem>>, vector<16xf32>,
        %get3A_582 = arith.index_cast %rem3A_379 : i32 to index
        %get3A_583 = arith.index_cast %add3A_548 : i32 to index
        %get3A_584 = arith.constant 48 : index
        %get3A_585 = tpu.vector_load %arg6[%get3A_582, %get3A_583, %get3A_584] {strides = array<i32>} : memref<3x512x64xf32, #tpu.memory_space<vmem>>, vector<16xf32>,
        %mul3A_586 = arith.constant 6.400000e+01 : f32
        %mul3A_587 = vector.broadcast %mul3A_586 : f32 to vector<16xf32>
        %mul3A_588 = arith.mulf %get3A_585, %mul3A_587 : vector<16xf32>
        %swap3A_589 = arith.index_cast %rem3A_379 : i32 to index
        %swap3A_590 = arith.index_cast %add3A_548 : i32 to index
        %swap3A_591 = arith.constant 48 : index
        %swap3A_592 = tpu.vector_load %arg6[%swap3A_589, %swap3A_590, %swap3A_591] {strides = array<i32>} : memref<3x512x64xf32, #tpu.memory_space<vmem>>, vector<16xf32>,
        tpu.vector_store %arg6[%swap3A_589, %swap3A_590, %swap3A_591], %mul3A_588 {strides = array<i32>} : memref<3x512x64xf32, #tpu.memory_space<vmem>>, vector<16xf32>,
        %add3A_593 = arith.constant 2 : i32
        %add3A_594 = arith.addi %mul3A_502, %add3A_593 : i32
        %get3A_595 = arith.index_cast %rem3A_379 : i32 to index
        %get3A_596 = arith.index_cast %add3A_594 : i32 to index
        %get3A_597 = arith.constant 0 : index
        %get3A_598 = tpu.vector_load %arg6[%get3A_595, %get3A_596, %get3A_597] {strides = array<i32>} : memref<3x512x64xf32, #tpu.memory_space<vmem>>, vector<16xf32>,
        %mul3A_599 = arith.constant 6.400000e+01 : f32
        %mul3A_600 = vector.broadcast %mul3A_599 : f32 to vector<16xf32>
        %mul3A_601 = arith.mulf %get3A_598, %mul3A_600 : vector<16xf32>
        %swap3A_602 = arith.index_cast %rem3A_379 : i32 to index
        %swap3A_603 = arith.index_cast %add3A_594 : i32 to index
        %swap3A_604 = arith.constant 0 : index
        %swap3A_605 = tpu.vector_load %arg6[%swap3A_602, %swap3A_603, %swap3A_604] {strides = array<i32>} : memref<3x512x64xf32, #tpu.memory_space<vmem>>, vector<16xf32>,
        tpu.vector_store %arg6[%swap3A_602, %swap3A_603, %swap3A_604], %mul3A_601 {strides = array<i32>} : memref<3x512x64xf32, #tpu.memory_space<vmem>>, vector<16xf32>,
        %get3A_606 = arith.index_cast %rem3A_379 : i32 to index
        %get3A_607 = arith.index_cast %add3A_594 : i32 to index
        %get3A_608 = arith.constant 16 : index
        %get3A_609 = tpu.vector_load %arg6[%get3A_606, %get3A_607, %get3A_608] {strides = array<i32>} : memref<3x512x64xf32, #tpu.memory_space<vmem>>, vector<16xf32>,
        %mul3A_610 = arith.constant 6.400000e+01 : f32
        %mul3A_611 = vector.broadcast %mul3A_610 : f32 to vector<16xf32>
        %mul3A_612 = arith.mulf %get3A_609, %mul3A_611 : vector<16xf32>
        %swap3A_613 = arith.index_cast %rem3A_379 : i32 to index
        %swap3A_614 = arith.index_cast %add3A_594 : i32 to index
        %swap3A_615 = arith.constant 16 : index
        %swap3A_616 = tpu.vector_load %arg6[%swap3A_613, %swap3A_614, %swap3A_615] {strides = array<i32>} : memref<3x512x64xf32, #tpu.memory_space<vmem>>, vector<16xf32>,
        tpu.vector_store %arg6[%swap3A_613, %swap3A_614, %swap3A_615], %mul3A_612 {strides = array<i32>} : memref<3x512x64xf32, #tpu.memory_space<vmem>>, vector<16xf32>,
        %get3A_617 = arith.index_cast %rem3A_379 : i32 to index
        %get3A_618 = arith.index_cast %add3A_594 : i32 to index
        %get3A_619 = arith.constant 32 : index
        %get3A_620 = tpu.vector_load %arg6[%get3A_617, %get3A_618, %get3A_619] {strides = array<i32>} : memref<3x512x64xf32, #tpu.memory_space<vmem>>, vector<16xf32>,
        %mul3A_621 = arith.constant 6.400000e+01 : f32
        %mul3A_622 = vector.broadcast %mul3A_621 : f32 to vector<16xf32>
        %mul3A_623 = arith.mulf %get3A_620, %mul3A_622 : vector<16xf32>
        %swap3A_624 = arith.index_cast %rem3A_379 : i32 to index
        %swap3A_625 = arith.index_cast %add3A_594 : i32 to index
        %swap3A_626 = arith.constant 32 : index
        %swap3A_627 = tpu.vector_load %arg6[%swap3A_624, %swap3A_625, %swap3A_626] {strides = array<i32>} : memref<3x512x64xf32, #tpu.memory_space<vmem>>, vector<16xf32>,
        tpu.vector_store %arg6[%swap3A_624, %swap3A_625, %swap3A_626], %mul3A_623 {strides = array<i32>} : memref<3x512x64xf32, #tpu.memory_space<vmem>>, vector<16xf32>,
        %get3A_628 = arith.index_cast %rem3A_379 : i32 to index
        %get3A_629 = arith.index_cast %add3A_594 : i32 to index
        %get3A_630 = arith.constant 48 : index
        %get3A_631 = tpu.vector_load %arg6[%get3A_628, %get3A_629, %get3A_630] {strides = array<i32>} : memref<3x512x64xf32, #tpu.memory_space<vmem>>, vector<16xf32>,
        %mul3A_632 = arith.constant 6.400000e+01 : f32
        %mul3A_633 = vector.broadcast %mul3A_632 : f32 to vector<16xf32>
        %mul3A_634 = arith.mulf %get3A_631, %mul3A_633 : vector<16xf32>
        %swap3A_635 = arith.index_cast %rem3A_379 : i32 to index
        %swap3A_636 = arith.index_cast %add3A_594 : i32 to index
        %swap3A_637 = arith.constant 48 : index
        %swap3A_638 = tpu.vector_load %arg6[%swap3A_635, %swap3A_636, %swap3A_637] {strides = array<i32>} : memref<3x512x64xf32, #tpu.memory_space<vmem>>, vector<16xf32>,
        tpu.vector_store %arg6[%swap3A_635, %swap3A_636, %swap3A_637], %mul3A_634 {strides = array<i32>} : memref<3x512x64xf32, #tpu.memory_space<vmem>>, vector<16xf32>,
        %add3A_639 = arith.constant 3 : i32
        %add3A_640 = arith.addi %mul3A_502, %add3A_639 : i32
        %get3A_641 = arith.index_cast %rem3A_379 : i32 to index
        %get3A_642 = arith.index_cast %add3A_640 : i32 to index
        %get3A_643 = arith.constant 0 : index
        %get3A_644 = tpu.vector_load %arg6[%get3A_641, %get3A_642, %get3A_643] {strides = array<i32>} : memref<3x512x64xf32, #tpu.memory_space<vmem>>, vector<16xf32>,
        %mul3A_645 = arith.constant 6.400000e+01 : f32
        %mul3A_646 = vector.broadcast %mul3A_645 : f32 to vector<16xf32>
        %mul3A_647 = arith.mulf %get3A_644, %mul3A_646 : vector<16xf32>
        %swap3A_648 = arith.index_cast %rem3A_379 : i32 to index
        %swap3A_649 = arith.index_cast %add3A_640 : i32 to index
        %swap3A_650 = arith.constant 0 : index
        %swap3A_651 = tpu.vector_load %arg6[%swap3A_648, %swap3A_649, %swap3A_650] {strides = array<i32>} : memref<3x512x64xf32, #tpu.memory_space<vmem>>, vector<16xf32>,
        tpu.vector_store %arg6[%swap3A_648, %swap3A_649, %swap3A_650], %mul3A_647 {strides = array<i32>} : memref<3x512x64xf32, #tpu.memory_space<vmem>>, vector<16xf32>,
        %get3A_652 = arith.index_cast %rem3A_379 : i32 to index
        %get3A_653 = arith.index_cast %add3A_640 : i32 to index
        %get3A_654 = arith.constant 16 : index
        %get3A_655 = tpu.vector_load %arg6[%get3A_652, %get3A_653, %get3A_654] {strides = array<i32>} : memref<3x512x64xf32, #tpu.memory_space<vmem>>, vector<16xf32>,
        %mul3A_656 = arith.constant 6.400000e+01 : f32
        %mul3A_657 = vector.broadcast %mul3A_656 : f32 to vector<16xf32>
        %mul3A_658 = arith.mulf %get3A_655, %mul3A_657 : vector<16xf32>
        %swap3A_659 = arith.index_cast %rem3A_379 : i32 to index
        %swap3A_660 = arith.index_cast %add3A_640 : i32 to index
        %swap3A_661 = arith.constant 16 : index
        %swap3A_662 = tpu.vector_load %arg6[%swap3A_659, %swap3A_660, %swap3A_661] {strides = array<i32>} : memref<3x512x64xf32, #tpu.memory_space<vmem>>, vector<16xf32>,
        tpu.vector_store %arg6[%swap3A_659, %swap3A_660, %swap3A_661], %mul3A_658 {strides = array<i32>} : memref<3x512x64xf32, #tpu.memory_space<vmem>>, vector<16xf32>,
        %get3A_663 = arith.index_cast %rem3A_379 : i32 to index
        %get3A_664 = arith.index_cast %add3A_640 : i32 to index
        %get3A_665 = arith.constant 32 : index
        %get3A_666 = tpu.vector_load %arg6[%get3A_663, %get3A_664, %get3A_665] {strides = array<i32>} : memref<3x512x64xf32, #tpu.memory_space<vmem>>, vector<16xf32>,
        %mul3A_667 = arith.constant 6.400000e+01 : f32
        %mul3A_668 = vector.broadcast %mul3A_667 : f32 to vector<16xf32>
        %mul3A_669 = arith.mulf %get3A_666, %mul3A_668 : vector<16xf32>
        %swap3A_670 = arith.index_cast %rem3A_379 : i32 to index
        %swap3A_671 = arith.index_cast %add3A_640 : i32 to index
        %swap3A_672 = arith.constant 32 : index
        %swap3A_673 = tpu.vector_load %arg6[%swap3A_670, %swap3A_671, %swap3A_672] {strides = array<i32>} : memref<3x512x64xf32, #tpu.memory_space<vmem>>, vector<16xf32>,
        tpu.vector_store %arg6[%swap3A_670, %swap3A_671, %swap3A_672], %mul3A_669 {strides = array<i32>} : memref<3x512x64xf32, #tpu.memory_space<vmem>>, vector<16xf32>,
        %get3A_674 = arith.index_cast %rem3A_379 : i32 to index
        %get3A_675 = arith.index_cast %add3A_640 : i32 to index
        %get3A_676 = arith.constant 48 : index
        %get3A_677 = tpu.vector_load %arg6[%get3A_674, %get3A_675, %get3A_676] {strides = array<i32>} : memref<3x512x64xf32, #tpu.memory_space<vmem>>, vector<16xf32>,
        %mul3A_678 = arith.constant 6.400000e+01 : f32
        %mul3A_679 = vector.broadcast %mul3A_678 : f32 to vector<16xf32>
        %mul3A_680 = arith.mulf %get3A_677, %mul3A_679 : vector<16xf32>
        %swap3A_681 = arith.index_cast %rem3A_379 : i32 to index
        %swap3A_682 = arith.index_cast %add3A_640 : i32 to index
        %swap3A_683 = arith.constant 48 : index
        %swap3A_684 = tpu.vector_load %arg6[%swap3A_681, %swap3A_682, %swap3A_683] {strides = array<i32>} : memref<3x512x64xf32, #tpu.memory_space<vmem>>, vector<16xf32>,
        tpu.vector_store %arg6[%swap3A_681, %swap3A_682, %swap3A_683], %mul3A_680 {strides = array<i32>} : memref<3x512x64xf32, #tpu.memory_space<vmem>>, vector<16xf32>,
      }
      %scan3A_437 = arith.constant 128 : i32
      %add3A_438 = arith.addi %mul3A_2, %scan3A_377 : i32
      %jit3A_439 = arith.constant 32 : i32
      %div3A_440 = arith.divsi %add3A_438, %jit3A_439 : i32
      %sign3A_441 = arith.constant 0 : i32
      %sign3A_442 = arith.cmpi sgt, %add3A_438, %sign3A_441 : i32
      %sign3A_443 = arith.extui %sign3A_442 : i1 to i32
      %sign3A_444 = arith.constant 0 : i32
      %sign3A_445 = arith.cmpi slt, %add3A_438, %sign3A_444 : i32
      %sign3A_446 = arith.extui %sign3A_445 : i1 to i32
      %sign3A_447 = arith.subi %sign3A_443, %sign3A_446 : i32
      %sign3A_448 = arith.constant 0 : i32
      %sign3A_449 = arith.cmpi sgt, %jit3A_439, %sign3A_448 : i32
      %sign3A_450 = arith.extui %sign3A_449 : i1 to i32
      %sign3A_451 = arith.constant 0 : i32
      %sign3A_452 = arith.cmpi slt, %jit3A_439, %sign3A_451 : i32
      %sign3A_453 = arith.extui %sign3A_452 : i1 to i32
      %sign3A_454 = arith.subi %sign3A_450, %sign3A_453 : i32
      %ne3A_455 = arith.cmpi ne, %sign3A_447, %sign3A_454 : i32
      %rem3A_456 = arith.remsi %add3A_438, %jit3A_439 : i32
      %ne3A_457 = arith.constant 0 : i32
      %ne3A_458 = arith.cmpi ne, %rem3A_456, %ne3A_457 : i32
      %and3A_459 = arith.andi %ne3A_455, %ne3A_458 : i1
      %sub3A_460 = arith.constant 1 : i32
      %sub3A_461 = arith.subi %div3A_440, %sub3A_460 : i32
      %select_n3A_462 = arith.select %and3A_459, %sub3A_461, %div3A_440 : i32
      %jit3A_463 = arith.constant 32 : i32
      %eq3A_464 = arith.constant 0 : i32
      %eq3A_465 = arith.cmpi eq, %jit3A_463, %eq3A_464 : i32
      %jit3A_466 = arith.constant 1 : i32
      %select_n3A_467 = arith.select %eq3A_465, %jit3A_466, %jit3A_463 : i32
      %rem3A_468 = arith.remsi %add3A_438, %select_n3A_467 : i32
      %ne3A_469 = arith.constant 0 : i32
      %ne3A_470 = arith.cmpi ne, %rem3A_468, %ne3A_469 : i32
      %lt3A_471 = arith.constant 0 : i32
      %lt3A_472 = arith.cmpi slt, %rem3A_468, %lt3A_471 : i32
      %lt3A_473 = arith.constant 0 : i32
      %lt3A_474 = arith.cmpi slt, %select_n3A_467, %lt3A_473 : i32
      %ne3A_475 = arith.xori %lt3A_472, %lt3A_474 : i1
      %and3A_476 = arith.andi %ne3A_475, %ne3A_470 : i1
      %add3A_477 = arith.addi %rem3A_468, %select_n3A_467 : i32
      %select_n3A_478 = arith.select %and3A_476, %add3A_477, %rem3A_468 : i32
      %mul3A_479 = arith.constant 512 : i32
      %mul3A_480 = arith.muli %select_n3A_478, %mul3A_479 : i32
      %dma_start3A_481 = arith.constant 0 : i32
      %dma_start3A_482 = arith.constant 0 : i32
      %dma_start3A_483 = tpu.memref_slice %arg6[%rem3A_379, %dma_start3A_481, %dma_start3A_482] : memref<3x512x64xf32, #tpu.memory_space<vmem>> -> memref<1x512x64xf32, #tpu.memory_space<vmem>>
      %dma_start3A_484 = tpu.memref_squeeze %dma_start3A_483 : memref<1x512x64xf32, #tpu.memory_space<vmem>> -> memref<512x64xf32, #tpu.memory_space<vmem>>
      %dma_start3A_485 = arith.constant 0 : i32
      %dma_start3A_486 = tpu.memref_slice %arg4[%select_n3A_462, %mul3A_480, %dma_start3A_485] : memref<50x16384x64xf32, #tpu.memory_space<hbm>> -> memref<1x512x64xf32, #tpu.memory_space<hbm>>
      %dma_start3A_487 = tpu.memref_squeeze %dma_start3A_486 : memref<1x512x64xf32, #tpu.memory_space<hbm>> -> memref<512x64xf32, #tpu.memory_space<hbm>>
      %dma_start3A_488 = tpu.memref_slice %arg8[%rem3A_379] : memref<3x!tpu.dma_semaphore, #tpu.memory_space<semaphore_mem>> -> memref<1x!tpu.dma_semaphore, #tpu.memory_space<semaphore_mem>>
      %dma_start3A_489 = tpu.memref_squeeze %dma_start3A_488 : memref<1x!tpu.dma_semaphore, #tpu.memory_space<semaphore_mem>> -> memref<!tpu.dma_semaphore, #tpu.memory_space<semaphore_mem>>
      %dma_start3A_490 = arith.constant 0 : i32
      %dma_start3A_491 = tpu.memref_slice %arg4[%select_n3A_462, %mul3A_480, %dma_start3A_490] : memref<50x16384x64xf32, #tpu.memory_space<hbm>> -> memref<1x512x64xf32, #tpu.memory_space<hbm>>
      %dma_start3A_492 = tpu.memref_squeeze %dma_start3A_491 : memref<1x512x64xf32, #tpu.memory_space<hbm>> -> memref<512x64xf32, #tpu.memory_space<hbm>>
      %dma_start3A_493 = arith.constant 0 : i32
      %dma_start3A_494 = arith.constant 0 : i32
      %dma_start3A_495 = tpu.memref_slice %arg6[%rem3A_379, %dma_start3A_493, %dma_start3A_494] : memref<3x512x64xf32, #tpu.memory_space<vmem>> -> memref<1x512x64xf32, #tpu.memory_space<vmem>>
      %dma_start3A_496 = tpu.memref_squeeze %dma_start3A_495 : memref<1x512x64xf32, #tpu.memory_space<vmem>> -> memref<512x64xf32, #tpu.memory_space<vmem>>
      tpu.enqueue_dma source(%dma_start3A_496 : memref<512x64xf32, #tpu.memory_space<vmem>>) target(%dma_start3A_492 : memref<512x64xf32, #tpu.memory_space<hbm>>) target_semaphore(%dma_start3A_489 : memref<!tpu.dma_semaphore, #tpu.memory_space<semaphore_mem>>)
      %lt3A_497 = arith.constant 47 : i32
      %lt3A_498 = arith.cmpi slt, %scan3A_377, %lt3A_497 : i32
      %convert_element_type3A = arith.extui %lt3A_498 : i1 to i32
      %cond3A = arith.constant 0 : i32
      %cond3A_499 = arith.cmpi ne, %convert_element_type3A, %cond3A : i32
      scf.if %cond3A_499 {
        %add3A_500 = arith.addi %mul3A_2, %scan3A_377 : i32
        %jit3A_501 = arith.constant 32 : i32
        %div3A_502 = arith.divsi %add3A_500, %jit3A_501 : i32
        %sign3A_503 = arith.constant 0 : i32
        %sign3A_504 = arith.cmpi sgt, %add3A_500, %sign3A_503 : i32
        %sign3A_505 = arith.extui %sign3A_504 : i1 to i32
        %sign3A_506 = arith.constant 0 : i32
        %sign3A_507 = arith.cmpi slt, %add3A_500, %sign3A_506 : i32
        %sign3A_508 = arith.extui %sign3A_507 : i1 to i32
        %sign3A_509 = arith.subi %sign3A_505, %sign3A_508 : i32
        %sign3A_510 = arith.constant 0 : i32
        %sign3A_511 = arith.cmpi sgt, %jit3A_501, %sign3A_510 : i32
        %sign3A_512 = arith.extui %sign3A_511 : i1 to i32
        %sign3A_513 = arith.constant 0 : i32
        %sign3A_514 = arith.cmpi slt, %jit3A_501, %sign3A_513 : i32
        %sign3A_515 = arith.extui %sign3A_514 : i1 to i32
        %sign3A_516 = arith.subi %sign3A_512, %sign3A_515 : i32
        %ne3A_517 = arith.cmpi ne, %sign3A_509, %sign3A_516 : i32
        %rem3A_518 = arith.remsi %add3A_500, %jit3A_501 : i32
        %ne3A_519 = arith.constant 0 : i32
        %ne3A_520 = arith.cmpi ne, %rem3A_518, %ne3A_519 : i32
        %and3A_521 = arith.andi %ne3A_517, %ne3A_520 : i1
        %sub3A_522 = arith.constant 1 : i32
        %sub3A_523 = arith.subi %div3A_502, %sub3A_522 : i32
        %select_n3A_524 = arith.select %and3A_521, %sub3A_523, %div3A_502 : i32
        %jit3A_525 = arith.constant 32 : i32
        %eq3A_526 = arith.constant 0 : i32
        %eq3A_527 = arith.cmpi eq, %jit3A_525, %eq3A_526 : i32
        %jit3A_528 = arith.constant 1 : i32
        %select_n3A_529 = arith.select %eq3A_527, %jit3A_528, %jit3A_525 : i32
        %rem3A_530 = arith.remsi %add3A_500, %select_n3A_529 : i32
        %ne3A_531 = arith.constant 0 : i32
        %ne3A_532 = arith.cmpi ne, %rem3A_530, %ne3A_531 : i32
        %lt3A_533 = arith.constant 0 : i32
        %lt3A_534 = arith.cmpi slt, %rem3A_530, %lt3A_533 : i32
        %lt3A_535 = arith.constant 0 : i32
        %lt3A_536 = arith.cmpi slt, %select_n3A_529, %lt3A_535 : i32
        %ne3A_537 = arith.xori %lt3A_534, %lt3A_536 : i1
        %and3A_538 = arith.andi %ne3A_537, %ne3A_532 : i1
        %add3A_539 = arith.addi %rem3A_530, %select_n3A_529 : i32
        %select_n3A_540 = arith.select %and3A_538, %add3A_539, %rem3A_530 : i32
        %mul3A_541 = arith.constant 512 : i32
        %mul3A_542 = arith.muli %select_n3A_540, %mul3A_541 : i32
        %dma_wait3A_543 = arith.constant 0 : i32
        %dma_wait3A_544 = arith.constant 0 : i32
        %dma_wait3A_545 = tpu.memref_slice %arg6[%rem3A_379, %dma_wait3A_543, %dma_wait3A_544] : memref<3x512x64xf32, #tpu.memory_space<vmem>> -> memref<1x512x64xf32, #tpu.memory_space<vmem>>
        %dma_wait3A_546 = tpu.memref_squeeze %dma_wait3A_545 : memref<1x512x64xf32, #tpu.memory_space<vmem>> -> memref<512x64xf32, #tpu.memory_space<vmem>>
        %dma_wait3A_547 = arith.constant 0 : i32
        %dma_wait3A_548 = tpu.memref_slice %arg4[%select_n3A_524, %mul3A_542, %dma_wait3A_547] : memref<50x16384x64xf32, #tpu.memory_space<hbm>> -> memref<1x512x64xf32, #tpu.memory_space<hbm>>
        %dma_wait3A_549 = tpu.memref_squeeze %dma_wait3A_548 : memref<1x512x64xf32, #tpu.memory_space<hbm>> -> memref<512x64xf32, #tpu.memory_space<hbm>>
        %dma_wait3A_550 = tpu.memref_slice %arg8[%rem3A_379] : memref<3x!tpu.dma_semaphore, #tpu.memory_space<semaphore_mem>> -> memref<1x!tpu.dma_semaphore, #tpu.memory_space<semaphore_mem>>
        %dma_wait3A_551 = tpu.memref_squeeze %dma_wait3A_550 : memref<1x!tpu.dma_semaphore, #tpu.memory_space<semaphore_mem>> -> memref<!tpu.dma_semaphore, #tpu.memory_space<semaphore_mem>>
        %dma_wait3A_552 = arith.constant 0 : i32
        %dma_wait3A_553 = tpu.memref_slice %arg4[%select_n3A_524, %mul3A_542, %dma_wait3A_552] : memref<50x16384x64xf32, #tpu.memory_space<hbm>> -> memref<1x512x64xf32, #tpu.memory_space<hbm>>
        %dma_wait3A_554 = tpu.memref_squeeze %dma_wait3A_553 : memref<1x512x64xf32, #tpu.memory_space<hbm>> -> memref<512x64xf32, #tpu.memory_space<hbm>>
        %dma_wait3A_555 = arith.constant 0 : i32
        %dma_wait3A_556 = arith.constant 0 : i32
        %dma_wait3A_557 = tpu.memref_slice %arg6[%rem3A_379, %dma_wait3A_555, %dma_wait3A_556] : memref<3x512x64xf32, #tpu.memory_space<vmem>> -> memref<1x512x64xf32, #tpu.memory_space<vmem>>
        %dma_wait3A_558 = tpu.memref_squeeze %dma_wait3A_557 : memref<1x512x64xf32, #tpu.memory_space<vmem>> -> memref<512x64xf32, #tpu.memory_space<vmem>>
        tpu.wait_dma2 semaphore(%dma_wait3A_551 : memref<!tpu.dma_semaphore, #tpu.memory_space<semaphore_mem>>) src(%dma_wait3A_558 : memref<512x64xf32, #tpu.memory_space<vmem>>) dst(%dma_wait3A_554 : memref<512x64xf32, #tpu.memory_space<hbm>>)
        %add3A_559 = arith.constant 3 : i32
        %add3A_560 = arith.addi %scan3A_377, %add3A_559 : i32
        %dma_start3A_561 = arith.constant 0 : i32
        %dma_start3A_562 = arith.constant 0 : i32
        %dma_start3A_563 = arith.constant 0 : i32
        %dma_start3A_564 = tpu.memref_slice %arg6[%rem3A_379, %dma_start3A_562, %dma_start3A_563] : memref<3x512x64xf32, #tpu.memory_space<vmem>> -> memref<1x128x64xf32, #tpu.memory_space<vmem>>
        %dma_start3A_565 = tpu.memref_squeeze %dma_start3A_564 : memref<1x128x64xf32, #tpu.memory_space<vmem>> -> memref<128x64xf32, #tpu.memory_space<vmem>>
        %dma_start3A_566 = arith.constant 0 : i32
        %dma_start3A_567 = tpu.memref_slice %arg5[%add3A_560, %dma_start3A_561, %dma_start3A_566] : memref<50x4x128xi32, #tpu.memory_space<vmem>> -> memref<1x1x128xi32, #tpu.memory_space<vmem>>
        %dma_start3A_568 = tpu.memref_squeeze %dma_start3A_567 : memref<1x1x128xi32, #tpu.memory_space<vmem>> -> memref<128xi32, #tpu.memory_space<vmem>>
        %dma_start3A_569 = arith.constant 0 : i32
        %dma_start3A_570 = arith.constant 0 : i32
        %dma_start3A_571 = tpu.memref_slice %arg3[%dma_start3A_569, %dma_start3A_570] : memref<1000000x64xf32, #tpu.memory_space<hbm>> -> memref<1000000x64xf32, #tpu.memory_space<hbm>>
        %dma_start3A_572 = tpu.memref_slice %arg7[%rem3A_379] : memref<3x!tpu.dma_semaphore, #tpu.memory_space<semaphore_mem>> -> memref<1x!tpu.dma_semaphore, #tpu.memory_space<semaphore_mem>>
        %dma_start3A_573 = tpu.memref_squeeze %dma_start3A_572 : memref<1x!tpu.dma_semaphore, #tpu.memory_space<semaphore_mem>> -> memref<!tpu.dma_semaphore, #tpu.memory_space<semaphore_mem>>
        tpu.enqueue_indirect_dma source(%dma_start3A_571 : memref<1000000x64xf32, #tpu.memory_space<hbm>>) target(%dma_start3A_565 : memref<128x64xf32, #tpu.memory_space<vmem>>) offsets(%dma_start3A_568 : memref<128xi32, #tpu.memory_space<vmem>>) semaphore(%dma_start3A_573 : memref<!tpu.dma_semaphore, #tpu.memory_space<semaphore_mem>>)
        %dma_start3A_574 = arith.constant 1 : i32
        %dma_start3A_575 = arith.constant 128 : i32
        %dma_start3A_576 = arith.constant 0 : i32
        %dma_start3A_577 = tpu.memref_slice %arg6[%rem3A_379, %dma_start3A_575, %dma_start3A_576] : memref<3x512x64xf32, #tpu.memory_space<vmem>> -> memref<1x128x64xf32, #tpu.memory_space<vmem>>
        %dma_start3A_578 = tpu.memref_squeeze %dma_start3A_577 : memref<1x128x64xf32, #tpu.memory_space<vmem>> -> memref<128x64xf32, #tpu.memory_space<vmem>>
        %dma_start3A_579 = arith.constant 0 : i32
        %dma_start3A_580 = tpu.memref_slice %arg5[%add3A_560, %dma_start3A_574, %dma_start3A_579] : memref<50x4x128xi32, #tpu.memory_space<vmem>> -> memref<1x1x128xi32, #tpu.memory_space<vmem>>
        %dma_start3A_581 = tpu.memref_squeeze %dma_start3A_580 : memref<1x1x128xi32, #tpu.memory_space<vmem>> -> memref<128xi32, #tpu.memory_space<vmem>>
        %dma_start3A_582 = arith.constant 0 : i32
        %dma_start3A_583 = arith.constant 0 : i32
        %dma_start3A_584 = tpu.memref_slice %arg3[%dma_start3A_582, %dma_start3A_583] : memref<1000000x64xf32, #tpu.memory_space<hbm>> -> memref<1000000x64xf32, #tpu.memory_space<hbm>>
        %dma_start3A_585 = tpu.memref_slice %arg7[%rem3A_379] : memref<3x!tpu.dma_semaphore, #tpu.memory_space<semaphore_mem>> -> memref<1x!tpu.dma_semaphore, #tpu.memory_space<semaphore_mem>>
        %dma_start3A_586 = tpu.memref_squeeze %dma_start3A_585 : memref<1x!tpu.dma_semaphore, #tpu.memory_space<semaphore_mem>> -> memref<!tpu.dma_semaphore, #tpu.memory_space<semaphore_mem>>
        tpu.enqueue_indirect_dma source(%dma_start3A_584 : memref<1000000x64xf32, #tpu.memory_space<hbm>>) target(%dma_start3A_578 : memref<128x64xf32, #tpu.memory_space<vmem>>) offsets(%dma_start3A_581 : memref<128xi32, #tpu.memory_space<vmem>>) semaphore(%dma_start3A_586 : memref<!tpu.dma_semaphore, #tpu.memory_space<semaphore_mem>>)
        %dma_start3A_587 = arith.constant 2 : i32
        %dma_start3A_588 = arith.constant 256 : i32
        %dma_start3A_589 = arith.constant 0 : i32
        %dma_start3A_590 = tpu.memref_slice %arg6[%rem3A_379, %dma_start3A_588, %dma_start3A_589] : memref<3x512x64xf32, #tpu.memory_space<vmem>> -> memref<1x128x64xf32, #tpu.memory_space<vmem>>
        %dma_start3A_591 = tpu.memref_squeeze %dma_start3A_590 : memref<1x128x64xf32, #tpu.memory_space<vmem>> -> memref<128x64xf32, #tpu.memory_space<vmem>>
        %dma_start3A_592 = arith.constant 0 : i32
        %dma_start3A_593 = tpu.memref_slice %arg5[%add3A_560, %dma_start3A_587, %dma_start3A_592] : memref<50x4x128xi32, #tpu.memory_space<vmem>> -> memref<1x1x128xi32, #tpu.memory_space<vmem>>
        %dma_start3A_594 = tpu.memref_squeeze %dma_start3A_593 : memref<1x1x128xi32, #tpu.memory_space<vmem>> -> memref<128xi32, #tpu.memory_space<vmem>>
        %dma_start3A_595 = arith.constant 0 : i32
        %dma_start3A_596 = arith.constant 0 : i32
        %dma_start3A_597 = tpu.memref_slice %arg3[%dma_start3A_595, %dma_start3A_596] : memref<1000000x64xf32, #tpu.memory_space<hbm>> -> memref<1000000x64xf32, #tpu.memory_space<hbm>>
        %dma_start3A_598 = tpu.memref_slice %arg7[%rem3A_379] : memref<3x!tpu.dma_semaphore, #tpu.memory_space<semaphore_mem>> -> memref<1x!tpu.dma_semaphore, #tpu.memory_space<semaphore_mem>>
        %dma_start3A_599 = tpu.memref_squeeze %dma_start3A_598 : memref<1x!tpu.dma_semaphore, #tpu.memory_space<semaphore_mem>> -> memref<!tpu.dma_semaphore, #tpu.memory_space<semaphore_mem>>
        tpu.enqueue_indirect_dma source(%dma_start3A_597 : memref<1000000x64xf32, #tpu.memory_space<hbm>>) target(%dma_start3A_591 : memref<128x64xf32, #tpu.memory_space<vmem>>) offsets(%dma_start3A_594 : memref<128xi32, #tpu.memory_space<vmem>>) semaphore(%dma_start3A_599 : memref<!tpu.dma_semaphore, #tpu.memory_space<semaphore_mem>>)
        %dma_start3A_600 = arith.constant 3 : i32
        %dma_start3A_601 = arith.constant 384 : i32
        %dma_start3A_602 = arith.constant 0 : i32
        %dma_start3A_603 = tpu.memref_slice %arg6[%rem3A_379, %dma_start3A_601, %dma_start3A_602] : memref<3x512x64xf32, #tpu.memory_space<vmem>> -> memref<1x128x64xf32, #tpu.memory_space<vmem>>
        %dma_start3A_604 = tpu.memref_squeeze %dma_start3A_603 : memref<1x128x64xf32, #tpu.memory_space<vmem>> -> memref<128x64xf32, #tpu.memory_space<vmem>>
        %dma_start3A_605 = arith.constant 0 : i32
        %dma_start3A_606 = tpu.memref_slice %arg5[%add3A_560, %dma_start3A_600, %dma_start3A_605] : memref<50x4x128xi32, #tpu.memory_space<vmem>> -> memref<1x1x128xi32, #tpu.memory_space<vmem>>
        %dma_start3A_607 = tpu.memref_squeeze %dma_start3A_606 : memref<1x1x128xi32, #tpu.memory_space<vmem>> -> memref<128xi32, #tpu.memory_space<vmem>>
        %dma_start3A_608 = arith.constant 0 : i32
        %dma_start3A_609 = arith.constant 0 : i32
        %dma_start3A_610 = tpu.memref_slice %arg3[%dma_start3A_608, %dma_start3A_609] : memref<1000000x64xf32, #tpu.memory_space<hbm>> -> memref<1000000x64xf32, #tpu.memory_space<hbm>>
        %dma_start3A_611 = tpu.memref_slice %arg7[%rem3A_379] : memref<3x!tpu.dma_semaphore, #tpu.memory_space<semaphore_mem>> -> memref<1x!tpu.dma_semaphore, #tpu.memory_space<semaphore_mem>>
        %dma_start3A_612 = tpu.memref_squeeze %dma_start3A_611 : memref<1x!tpu.dma_semaphore, #tpu.memory_space<semaphore_mem>> -> memref<!tpu.dma_semaphore, #tpu.memory_space<semaphore_mem>>
        tpu.enqueue_indirect_dma source(%dma_start3A_610 : memref<1000000x64xf32, #tpu.memory_space<hbm>>) target(%dma_start3A_604 : memref<128x64xf32, #tpu.memory_space<vmem>>) offsets(%dma_start3A_607 : memref<128xi32, #tpu.memory_space<vmem>>) semaphore(%dma_start3A_612 : memref<!tpu.dma_semaphore, #tpu.memory_space<semaphore_mem>>)
      } else {
      }
    }
    %scan3A_198 = arith.constant 50 : i32
    %rem3A = arith.constant 47 : i32
    %rem3A_199 = arith.constant 3 : i32
    %rem3A_200 = arith.remsi %rem3A, %rem3A_199 : i32
    %add3A_201 = arith.constant 47 : i32
    %add3A_202 = arith.addi %mul3A_2, %add3A_201 : i32
    %jit3A = arith.constant 32 : i32
    %div3A = arith.divsi %add3A_202, %jit3A : i32
    %sign3A = arith.constant 0 : i32
    %sign3A_203 = arith.cmpi sgt, %add3A_202, %sign3A : i32
    %sign3A_204 = arith.extui %sign3A_203 : i1 to i32
    %sign3A_205 = arith.constant 0 : i32
    %sign3A_206 = arith.cmpi slt, %add3A_202, %sign3A_205 : i32
    %sign3A_207 = arith.extui %sign3A_206 : i1 to i32
    %sign3A_208 = arith.subi %sign3A_204, %sign3A_207 : i32
    %sign3A_209 = arith.constant 0 : i32
    %sign3A_210 = arith.cmpi sgt, %jit3A, %sign3A_209 : i32
    %sign3A_211 = arith.extui %sign3A_210 : i1 to i32
    %sign3A_212 = arith.constant 0 : i32
    %sign3A_213 = arith.cmpi slt, %jit3A, %sign3A_212 : i32
    %sign3A_214 = arith.extui %sign3A_213 : i1 to i32
    %sign3A_215 = arith.subi %sign3A_211, %sign3A_214 : i32
    %ne3A = arith.cmpi ne, %sign3A_208, %sign3A_215 : i32
    %rem3A_216 = arith.remsi %add3A_202, %jit3A : i32
    %ne3A_217 = arith.constant 0 : i32
    %ne3A_218 = arith.cmpi ne, %rem3A_216, %ne3A_217 : i32
    %and3A = arith.andi %ne3A, %ne3A_218 : i1
    %sub3A = arith.constant 1 : i32
    %sub3A_219 = arith.subi %div3A, %sub3A : i32
    %select_n3A = arith.select %and3A, %sub3A_219, %div3A : i32
    %jit3A_220 = arith.constant 32 : i32
    %eq3A = arith.constant 0 : i32
    %eq3A_221 = arith.cmpi eq, %jit3A_220, %eq3A : i32
    %jit3A_222 = arith.constant 1 : i32
    %select_n3A_223 = arith.select %eq3A_221, %jit3A_222, %jit3A_220 : i32
    %rem3A_224 = arith.remsi %add3A_202, %select_n3A_223 : i32
    %ne3A_225 = arith.constant 0 : i32
    %ne3A_226 = arith.cmpi ne, %rem3A_224, %ne3A_225 : i32
    %lt3A = arith.constant 0 : i32
    %lt3A_227 = arith.cmpi slt, %rem3A_224, %lt3A : i32
    %lt3A_228 = arith.constant 0 : i32
    %lt3A_229 = arith.cmpi slt, %select_n3A_223, %lt3A_228 : i32
    %ne3A_230 = arith.xori %lt3A_227, %lt3A_229 : i1
    %and3A_231 = arith.andi %ne3A_230, %ne3A_226 : i1
    %add3A_232 = arith.addi %rem3A_224, %select_n3A_223 : i32
    %select_n3A_233 = arith.select %and3A_231, %add3A_232, %rem3A_224 : i32
    %mul3A_234 = arith.constant 512 : i32
    %mul3A_235 = arith.muli %select_n3A_233, %mul3A_234 : i32
    %dma_wait3A = arith.constant 0 : i32
    %dma_wait3A_236 = arith.constant 0 : i32
    %dma_wait3A_237 = tpu.memref_slice %arg6[%rem3A_200, %dma_wait3A, %dma_wait3A_236] : memref<3x512x64xf32, #tpu.memory_space<vmem>> -> memref<1x512x64xf32, #tpu.memory_space<vmem>>
    %dma_wait3A_238 = tpu.memref_squeeze %dma_wait3A_237 : memref<1x512x64xf32, #tpu.memory_space<vmem>> -> memref<512x64xf32, #tpu.memory_space<vmem>>
    %dma_wait3A_239 = arith.constant 0 : i32
    %dma_wait3A_240 = tpu.memref_slice %arg4[%select_n3A, %mul3A_235, %dma_wait3A_239] : memref<50x16384x64xf32, #tpu.memory_space<hbm>> -> memref<1x512x64xf32, #tpu.memory_space<hbm>>
    %dma_wait3A_241 = tpu.memref_squeeze %dma_wait3A_240 : memref<1x512x64xf32, #tpu.memory_space<hbm>> -> memref<512x64xf32, #tpu.memory_space<hbm>>
    %dma_wait3A_242 = tpu.memref_slice %arg8[%rem3A_200] : memref<3x!tpu.dma_semaphore, #tpu.memory_space<semaphore_mem>> -> memref<1x!tpu.dma_semaphore, #tpu.memory_space<semaphore_mem>>
    %dma_wait3A_243 = tpu.memref_squeeze %dma_wait3A_242 : memref<1x!tpu.dma_semaphore, #tpu.memory_space<semaphore_mem>> -> memref<!tpu.dma_semaphore, #tpu.memory_space<semaphore_mem>>
    %dma_wait3A_244 = arith.constant 0 : i32
    %dma_wait3A_245 = tpu.memref_slice %arg4[%select_n3A, %mul3A_235, %dma_wait3A_244] : memref<50x16384x64xf32, #tpu.memory_space<hbm>> -> memref<1x512x64xf32, #tpu.memory_space<hbm>>
    %dma_wait3A_246 = tpu.memref_squeeze %dma_wait3A_245 : memref<1x512x64xf32, #tpu.memory_space<hbm>> -> memref<512x64xf32, #tpu.memory_space<hbm>>
    %dma_wait3A_247 = arith.constant 0 : i32
    %dma_wait3A_248 = arith.constant 0 : i32
    %dma_wait3A_249 = tpu.memref_slice %arg6[%rem3A_200, %dma_wait3A_247, %dma_wait3A_248] : memref<3x512x64xf32, #tpu.memory_space<vmem>> -> memref<1x512x64xf32, #tpu.memory_space<vmem>>
    %dma_wait3A_250 = tpu.memref_squeeze %dma_wait3A_249 : memref<1x512x64xf32, #tpu.memory_space<vmem>> -> memref<512x64xf32, #tpu.memory_space<vmem>>
    tpu.wait_dma2 semaphore(%dma_wait3A_243 : memref<!tpu.dma_semaphore, #tpu.memory_space<semaphore_mem>>) src(%dma_wait3A_250 : memref<512x64xf32, #tpu.memory_space<vmem>>) dst(%dma_wait3A_246 : memref<512x64xf32, #tpu.memory_space<hbm>>)
    %rem3A_251 = arith.constant 48 : i32
    %rem3A_252 = arith.constant 3 : i32
    %rem3A_253 = arith.remsi %rem3A_251, %rem3A_252 : i32
    %add3A_254 = arith.constant 48 : i32
    %add3A_255 = arith.addi %mul3A_2, %add3A_254 : i32
    %jit3A_256 = arith.constant 32 : i32
    %div3A_257 = arith.divsi %add3A_255, %jit3A_256 : i32
    %sign3A_258 = arith.constant 0 : i32
    %sign3A_259 = arith.cmpi sgt, %add3A_255, %sign3A_258 : i32
    %sign3A_260 = arith.extui %sign3A_259 : i1 to i32
    %sign3A_261 = arith.constant 0 : i32
    %sign3A_262 = arith.cmpi slt, %add3A_255, %sign3A_261 : i32
    %sign3A_263 = arith.extui %sign3A_262 : i1 to i32
    %sign3A_264 = arith.subi %sign3A_260, %sign3A_263 : i32
    %sign3A_265 = arith.constant 0 : i32
    %sign3A_266 = arith.cmpi sgt, %jit3A_256, %sign3A_265 : i32
    %sign3A_267 = arith.extui %sign3A_266 : i1 to i32
    %sign3A_268 = arith.constant 0 : i32
    %sign3A_269 = arith.cmpi slt, %jit3A_256, %sign3A_268 : i32
    %sign3A_270 = arith.extui %sign3A_269 : i1 to i32
    %sign3A_271 = arith.subi %sign3A_267, %sign3A_270 : i32
    %ne3A_272 = arith.cmpi ne, %sign3A_264, %sign3A_271 : i32
    %rem3A_273 = arith.remsi %add3A_255, %jit3A_256 : i32
    %ne3A_274 = arith.constant 0 : i32
    %ne3A_275 = arith.cmpi ne, %rem3A_273, %ne3A_274 : i32
    %and3A_276 = arith.andi %ne3A_272, %ne3A_275 : i1
    %sub3A_277 = arith.constant 1 : i32
    %sub3A_278 = arith.subi %div3A_257, %sub3A_277 : i32
    %select_n3A_279 = arith.select %and3A_276, %sub3A_278, %div3A_257 : i32
    %jit3A_280 = arith.constant 32 : i32
    %eq3A_281 = arith.constant 0 : i32
    %eq3A_282 = arith.cmpi eq, %jit3A_280, %eq3A_281 : i32
    %jit3A_283 = arith.constant 1 : i32
    %select_n3A_284 = arith.select %eq3A_282, %jit3A_283, %jit3A_280 : i32
    %rem3A_285 = arith.remsi %add3A_255, %select_n3A_284 : i32
    %ne3A_286 = arith.constant 0 : i32
    %ne3A_287 = arith.cmpi ne, %rem3A_285, %ne3A_286 : i32
    %lt3A_288 = arith.constant 0 : i32
    %lt3A_289 = arith.cmpi slt, %rem3A_285, %lt3A_288 : i32
    %lt3A_290 = arith.constant 0 : i32
    %lt3A_291 = arith.cmpi slt, %select_n3A_284, %lt3A_290 : i32
    %ne3A_292 = arith.xori %lt3A_289, %lt3A_291 : i1
    %and3A_293 = arith.andi %ne3A_292, %ne3A_287 : i1
    %add3A_294 = arith.addi %rem3A_285, %select_n3A_284 : i32
    %select_n3A_295 = arith.select %and3A_293, %add3A_294, %rem3A_285 : i32
    %mul3A_296 = arith.constant 512 : i32
    %mul3A_297 = arith.muli %select_n3A_295, %mul3A_296 : i32
    %dma_wait3A_298 = arith.constant 0 : i32
    %dma_wait3A_299 = arith.constant 0 : i32
    %dma_wait3A_300 = tpu.memref_slice %arg6[%rem3A_253, %dma_wait3A_298, %dma_wait3A_299] : memref<3x512x64xf32, #tpu.memory_space<vmem>> -> memref<1x512x64xf32, #tpu.memory_space<vmem>>
    %dma_wait3A_301 = tpu.memref_squeeze %dma_wait3A_300 : memref<1x512x64xf32, #tpu.memory_space<vmem>> -> memref<512x64xf32, #tpu.memory_space<vmem>>
    %dma_wait3A_302 = arith.constant 0 : i32
    %dma_wait3A_303 = tpu.memref_slice %arg4[%select_n3A_279, %mul3A_297, %dma_wait3A_302] : memref<50x16384x64xf32, #tpu.memory_space<hbm>> -> memref<1x512x64xf32, #tpu.memory_space<hbm>>
    %dma_wait3A_304 = tpu.memref_squeeze %dma_wait3A_303 : memref<1x512x64xf32, #tpu.memory_space<hbm>> -> memref<512x64xf32, #tpu.memory_space<hbm>>
    %dma_wait3A_305 = tpu.memref_slice %arg8[%rem3A_253] : memref<3x!tpu.dma_semaphore, #tpu.memory_space<semaphore_mem>> -> memref<1x!tpu.dma_semaphore, #tpu.memory_space<semaphore_mem>>
    %dma_wait3A_306 = tpu.memref_squeeze %dma_wait3A_305 : memref<1x!tpu.dma_semaphore, #tpu.memory_space<semaphore_mem>> -> memref<!tpu.dma_semaphore, #tpu.memory_space<semaphore_mem>>
    %dma_wait3A_307 = arith.constant 0 : i32
    %dma_wait3A_308 = tpu.memref_slice %arg4[%select_n3A_279, %mul3A_297, %dma_wait3A_307] : memref<50x16384x64xf32, #tpu.memory_space<hbm>> -> memref<1x512x64xf32, #tpu.memory_space<hbm>>
    %dma_wait3A_309 = tpu.memref_squeeze %dma_wait3A_308 : memref<1x512x64xf32, #tpu.memory_space<hbm>> -> memref<512x64xf32, #tpu.memory_space<hbm>>
    %dma_wait3A_310 = arith.constant 0 : i32
    %dma_wait3A_311 = arith.constant 0 : i32
    %dma_wait3A_312 = tpu.memref_slice %arg6[%rem3A_253, %dma_wait3A_310, %dma_wait3A_311] : memref<3x512x64xf32, #tpu.memory_space<vmem>> -> memref<1x512x64xf32, #tpu.memory_space<vmem>>
    %dma_wait3A_313 = tpu.memref_squeeze %dma_wait3A_312 : memref<1x512x64xf32, #tpu.memory_space<vmem>> -> memref<512x64xf32, #tpu.memory_space<vmem>>
    tpu.wait_dma2 semaphore(%dma_wait3A_306 : memref<!tpu.dma_semaphore, #tpu.memory_space<semaphore_mem>>) src(%dma_wait3A_313 : memref<512x64xf32, #tpu.memory_space<vmem>>) dst(%dma_wait3A_309 : memref<512x64xf32, #tpu.memory_space<hbm>>)
    %rem3A_314 = arith.constant 49 : i32
    %rem3A_315 = arith.constant 3 : i32
    %rem3A_316 = arith.remsi %rem3A_314, %rem3A_315 : i32
    %add3A_317 = arith.constant 49 : i32
    %add3A_318 = arith.addi %mul3A_2, %add3A_317 : i32
    %jit3A_319 = arith.constant 32 : i32
    %div3A_320 = arith.divsi %add3A_318, %jit3A_319 : i32
    %sign3A_321 = arith.constant 0 : i32
    %sign3A_322 = arith.cmpi sgt, %add3A_318, %sign3A_321 : i32
    %sign3A_323 = arith.extui %sign3A_322 : i1 to i32
    %sign3A_324 = arith.constant 0 : i32
    %sign3A_325 = arith.cmpi slt, %add3A_318, %sign3A_324 : i32
    %sign3A_326 = arith.extui %sign3A_325 : i1 to i32
    %sign3A_327 = arith.subi %sign3A_323, %sign3A_326 : i32
    %sign3A_328 = arith.constant 0 : i32
    %sign3A_329 = arith.cmpi sgt, %jit3A_319, %sign3A_328 : i32
    %sign3A_330 = arith.extui %sign3A_329 : i1 to i32
    %sign3A_331 = arith.constant 0 : i32
    %sign3A_332 = arith.cmpi slt, %jit3A_319, %sign3A_331 : i32
    %sign3A_333 = arith.extui %sign3A_332 : i1 to i32
    %sign3A_334 = arith.subi %sign3A_330, %sign3A_333 : i32
    %ne3A_335 = arith.cmpi ne, %sign3A_327, %sign3A_334 : i32
    %rem3A_336 = arith.remsi %add3A_318, %jit3A_319 : i32
    %ne3A_337 = arith.constant 0 : i32
    %ne3A_338 = arith.cmpi ne, %rem3A_336, %ne3A_337 : i32
    %and3A_339 = arith.andi %ne3A_335, %ne3A_338 : i1
    %sub3A_340 = arith.constant 1 : i32
    %sub3A_341 = arith.subi %div3A_320, %sub3A_340 : i32
    %select_n3A_342 = arith.select %and3A_339, %sub3A_341, %div3A_320 : i32
    %jit3A_343 = arith.constant 32 : i32
    %eq3A_344 = arith.constant 0 : i32
    %eq3A_345 = arith.cmpi eq, %jit3A_343, %eq3A_344 : i32
    %jit3A_346 = arith.constant 1 : i32
    %select_n3A_347 = arith.select %eq3A_345, %jit3A_346, %jit3A_343 : i32
    %rem3A_348 = arith.remsi %add3A_318, %select_n3A_347 : i32
    %ne3A_349 = arith.constant 0 : i32
    %ne3A_350 = arith.cmpi ne, %rem3A_348, %ne3A_349 : i32
    %lt3A_351 = arith.constant 0 : i32
    %lt3A_352 = arith.cmpi slt, %rem3A_348, %lt3A_351 : i32
    %lt3A_353 = arith.constant 0 : i32
    %lt3A_354 = arith.cmpi slt, %select_n3A_347, %lt3A_353 : i32
    %ne3A_355 = arith.xori %lt3A_352, %lt3A_354 : i1
    %and3A_356 = arith.andi %ne3A_355, %ne3A_350 : i1
    %add3A_357 = arith.addi %rem3A_348, %select_n3A_347 : i32
    %select_n3A_358 = arith.select %and3A_356, %add3A_357, %rem3A_348 : i32
    %mul3A_359 = arith.constant 512 : i32
    %mul3A_360 = arith.muli %select_n3A_358, %mul3A_359 : i32
    %dma_wait3A_361 = arith.constant 0 : i32
    %dma_wait3A_362 = arith.constant 0 : i32
    %dma_wait3A_363 = tpu.memref_slice %arg6[%rem3A_316, %dma_wait3A_361, %dma_wait3A_362] : memref<3x512x64xf32, #tpu.memory_space<vmem>> -> memref<1x512x64xf32, #tpu.memory_space<vmem>>
    %dma_wait3A_364 = tpu.memref_squeeze %dma_wait3A_363 : memref<1x512x64xf32, #tpu.memory_space<vmem>> -> memref<512x64xf32, #tpu.memory_space<vmem>>
    %dma_wait3A_365 = arith.constant 0 : i32
    %dma_wait3A_366 = tpu.memref_slice %arg4[%select_n3A_342, %mul3A_360, %dma_wait3A_365] : memref<50x16384x64xf32, #tpu.memory_space<hbm>> -> memref<1x512x64xf32, #tpu.memory_space<hbm>>
    %dma_wait3A_367 = tpu.memref_squeeze %dma_wait3A_366 : memref<1x512x64xf32, #tpu.memory_space<hbm>> -> memref<512x64xf32, #tpu.memory_space<hbm>>
    %dma_wait3A_368 = tpu.memref_slice %arg8[%rem3A_316] : memref<3x!tpu.dma_semaphore, #tpu.memory_space<semaphore_mem>> -> memref<1x!tpu.dma_semaphore, #tpu.memory_space<semaphore_mem>>
    %dma_wait3A_369 = tpu.memref_squeeze %dma_wait3A_368 : memref<1x!tpu.dma_semaphore, #tpu.memory_space<semaphore_mem>> -> memref<!tpu.dma_semaphore, #tpu.memory_space<semaphore_mem>>
    %dma_wait3A_370 = arith.constant 0 : i32
    %dma_wait3A_371 = tpu.memref_slice %arg4[%select_n3A_342, %mul3A_360, %dma_wait3A_370] : memref<50x16384x64xf32, #tpu.memory_space<hbm>> -> memref<1x512x64xf32, #tpu.memory_space<hbm>>
    %dma_wait3A_372 = tpu.memref_squeeze %dma_wait3A_371 : memref<1x512x64xf32, #tpu.memory_space<hbm>> -> memref<512x64xf32, #tpu.memory_space<hbm>>
    %dma_wait3A_373 = arith.constant 0 : i32
    %dma_wait3A_374 = arith.constant 0 : i32
    %dma_wait3A_375 = tpu.memref_slice %arg6[%rem3A_316, %dma_wait3A_373, %dma_wait3A_374] : memref<3x512x64xf32, #tpu.memory_space<vmem>> -> memref<1x512x64xf32, #tpu.memory_space<vmem>>
    %dma_wait3A_376 = tpu.memref_squeeze %dma_wait3A_375 : memref<1x512x64xf32, #tpu.memory_space<vmem>> -> memref<512x64xf32, #tpu.memory_space<vmem>>
    tpu.wait_dma2 semaphore(%dma_wait3A_369 : memref<!tpu.dma_semaphore, #tpu.memory_space<semaphore_mem>>) src(%dma_wait3A_376 : memref<512x64xf32, #tpu.memory_space<vmem>>) dst(%dma_wait3A_372 : memref<512x64xf32, #tpu.memory_space<hbm>>)
    return
  }
}

</mosaic_0001>

<sc_bundles>
// kernel: _run.3.cloned.1.call-start
scs
__scs_entry_jumppad:
0x0: {  	(pc) =	sbr.rel $0x88, $3  }
0x1: {  	(tag) =	ssettag $0x0;
	lr =	simm.s32 $0x1  }
0x2: {  	[smem:$0x3F9F] =	sst lr;
	_ =	strace $0xD0000000  }
0x3: {  	_ = 	snop  }
0x4: {  	_ = 	snop  }
0x5: {  	_ = 	snop  }
0x6: {  	_ = 	snop  }
0x7: {  	_ = 	snop  }
__scs_overlays_trampoline_lowered:
0x8: {  	[smem:$0x3FAE] =	sst s0  }
0x9: {  	[smem:$0x3FAF] =	sst s1  }
0xa: {  	[smem:$0x3FB0] =	sst s2  }
0xb: {  	[smem:$0x3FB1] =	sst s3  }
0xc: {  	[smem:$0x3FB2] =	sst s4  }
0xd: {  	[smem:$0x3FB3] =	sst s5  }
0xe: {  	[smem:$0x3FB4] =	sst s6  }
0xf: {  	[smem:$0x3FB5] =	sst s7  }
0x10: {  	[smem:$0x3FB6] =	sst s8  }
0x11: {  	[smem:$0x3FB7] =	sst s9;
	s0 =	simm.s32 @!p0 $0x0  }
0x12: {  	s1 =	sld [smem:$0x3F9D];
	s0 =	simm.s32 @p0 $0x1  }
0x13: {  	[smem:$0x3FB8] =	sst s0;
	s0 =	simm.s32 @!p1 $0x0  }
0x14: {  	s2 =	sld [smem:$0x3F9C];
	s0 =	simm.s32 @p1 $0x1  }
0x15: {  	[smem:$0x3FB9] =	sst s0;
	s0 =	simm.s32 @!p2 $0x0  }
0x16: {  	s3 =	sld [smem:$0x3FDB];
	s0 =	simm.s32 @p2 $0x1  }
0x17: {  	s4 =	simm.s32 $0x1BF5;
	[smem:$0x3FBB] =	sst s0  }
0x18: {  	s0 =	sld [smem:$0x3F9E];
	_ =	swait.ge [sflag:s4], $0x0  }
0x19: {  	s7 =	sld [smem:$0x3F9F]  }
0x1a: {  	s8 =	sadd.s32 $0xFFFFE003, lr  }
0x1b: {  	s9 =	sadd.s32 $0xFFFFFEF7, lr;
	s5 =	simm.s32 $0xFFFFFFFF;
	p2 =	slt.u32 s8, $0xFFFFF086  }
0x1c: {  	p1 =	slt.u32 s9, $0xF7A;
	s5 =	simm.s32 @!p2 $0x0  }
0x1d: {  	s5 =	simm.s32 @p1 $0x1;
	p0 =	seq.s32 s7, s2  }
0x1e: {  	s7 =	smul.u32 @!p0 $0xF7A, s2;
	p2 =	seq.s32 @!p0 s5, $0x0  }
0x1f: {  	s9 =	smul.u32 $0xF7A, s1;
	s8 =	simm.s32 @!p0 $0x1BF5;
	p2 =	por !p2, p0  }
0x20: {  	[sflag:s8] =	ssyncset.s32 @!p0 $0xFFFFF086;
	s6 =	sadd.s32 @!p0 s3, s7;
	s7 =	simm.s32 @!p0 $0x108  }
0x21: {  	s3 =	sadd.s32 s3, s9;
	s6 =	sadd.s32 @!p0 $0x88, s6;
	s7 =	simm.s32 @p2 $0x1082  }
0x22: {  	[simem:s7], [sflag:s8] =	dma.local @!p0 [hbm:s6], $0xF7A  }
0x23: {  	s9 =	sor.u32 $0xD0000000, s2;
	s6 =	simm.s32 $0x108;
	_ =	swait.ge @!p0 [sflag:s8], $0x0  }
0x24: {  	s3 =	sadd.s32 $0x88, s3;
	s6 =	simm.s32 @!p1 $0x1082;
	[sflag:s4] =	ssyncset.s32 $0xFFFFF086  }
0x25: {  	[simem:s6], [sflag:s4] =	dma.local [hbm:s3], $0xF7A  }
0x26: {  	[smem:$0x3F9F] =	sst s1;
	(tag) =	ssettag s2;
	_ =	strace s9  }
0x27: {  	s1 =	sld [smem:$0x3FAF]  }
0x28: {  	s2 =	sld [smem:$0x3FB0]  }
0x29: {  	s4 =	sld [smem:$0x3FB2]  }
0x2a: {  	p0 =	seq.s32 s5, $0x0;
	s5 =	sld [smem:$0x3FB3]  }
0x2b: {  	s6 =	sld [smem:$0x3FB4]  }
0x2c: {  	s7 =	sld [smem:$0x3FB5]  }
0x2d: {  	s3 =	simm.s32 $0x108;
	s8 =	sld [smem:$0x3FB6]  }
0x2e: {  	s3 =	simm.s32 @!p0 $0x1082;
	s9 =	sld [smem:$0x3FB7]  }
0x2f: {  	lr =	sadd.s32 s0, s3;
	s0 =	sld [smem:$0x3FAE]  }
0x30: {  	s3 =	sld [smem:$0x3FB1]  }
0x31: {  	[smem:$0x3FBA] =	sst s10  }
0x32: {  	s10 =	sld [smem:$0x3FB8];
	_ =	sdelay $0x3  }
0x33: {  	p0 =	seq.s32 s10, $0x1;
	s10 =	sld [smem:$0x3FBA];
	_ =	sdelay $0x3  }
0x34: {  	[smem:$0x3FBA] =	sst s10  }
0x35: {  	s10 =	sld [smem:$0x3FB9];
	_ =	sdelay $0x3  }
0x36: {  	p1 =	seq.s32 s10, $0x1;
	s10 =	sld [smem:$0x3FBA];
	_ =	sdelay $0x3  }
0x37: {  	[smem:$0x3FBA] =	sst s10  }
0x38: {  	s10 =	sld [smem:$0x3FBB]  }
0x39: {  	_ = 	snop;
	(pc) =	sbr.ind lr, $3  }
0x3a: {  	_ = 	snop  }
0x3b: {  	_ = 	snop  }
0x3c: {  	p2 =	seq.s32 s10, $0x1;
	s10 =	sld [smem:$0x3FBA]  }
0x3d: {  	_ =	shalt  }
0x3e: {  	_ =	shalt  }
0x3f: {  	_ =	shalt  }
0x40: {  	_ =	shalt  }
0x41: {  	_ =	shalt  }
0x42: {  	_ =	shalt  }
0x43: {  	_ =	shalt  }
0x44: {  	_ =	shalt  }
0x45: {  	_ =	shalt  }
0x46: {  	_ =	shalt  }
0x47: {  	_ =	shalt  }
0x48: {  	_ =	shalt  }
0x49: {  	_ =	shalt  }
0x4a: {  	_ =	shalt  }
0x4b: {  	_ =	shalt  }
0x4c: {  	_ =	shalt  }
0x4d: {  	_ =	shalt  }
0x4e: {  	_ =	shalt  }
0x4f: {  	_ =	shalt  }
0x50: {  	_ =	shalt  }
0x51: {  	_ =	shalt  }
0x52: {  	_ =	shalt  }
0x53: {  	_ =	shalt  }
0x54: {  	_ =	shalt  }
0x55: {  	_ =	shalt  }
0x56: {  	_ =	shalt  }
0x57: {  	_ =	shalt  }
0x58: {  	_ =	shalt  }
0x59: {  	_ =	shalt  }
0x5a: {  	_ =	shalt  }
0x5b: {  	_ =	shalt  }
0x5c: {  	_ =	shalt  }
0x5d: {  	_ =	shalt  }
0x5e: {  	_ =	shalt  }
0x5f: {  	_ =	shalt  }
0x60: {  	_ =	shalt  }
0x61: {  	_ =	shalt  }
0x62: {  	_ =	shalt  }
0x63: {  	_ =	shalt  }
0x64: {  	_ =	shalt  }
0x65: {  	_ =	shalt  }
0x66: {  	_ =	shalt  }
0x67: {  	_ =	shalt  }
0x68: {  	_ =	shalt  }
0x69: {  	_ =	shalt  }
0x6a: {  	_ =	shalt  }
0x6b: {  	_ =	shalt  }
0x6c: {  	_ =	shalt  }
0x6d: {  	_ =	shalt  }
0x6e: {  	_ =	shalt  }
0x6f: {  	_ =	shalt  }
0x70: {  	_ =	shalt  }
0x71: {  	_ =	shalt  }
0x72: {  	_ =	shalt  }
0x73: {  	_ =	shalt  }
0x74: {  	_ =	shalt  }
0x75: {  	_ =	shalt  }
0x76: {  	_ =	shalt  }
0x77: {  	_ =	shalt  }
0x78: {  	_ =	shalt  }
0x79: {  	_ =	shalt  }
0x7a: {  	_ =	shalt  }
0x7b: {  	_ =	shalt  }
0x7c: {  	_ =	shalt  }
0x7d: {  	_ =	shalt  }
0x7e: {  	_ =	shalt  }
0x7f: {  	_ =	shalt  }
0x80: {  	_ =	shalt  }
0x81: {  	_ =	shalt  }
0x82: {  	_ =	shalt  }
0x83: {  	_ =	shalt  }
0x84: {  	_ =	shalt  }
0x85: {  	_ =	shalt  }
0x86: {  	_ =	shalt  }
0x87: {  	_ =	shalt  }
.Lfunc_end0:
.L_simem_size_0:
called_computation.1_lowered:
.L_overlay_start_0:
0x88: {  	s2 =	sld [smem:$0x3FD9]  }
0x89: {  	s3 =	sld [smem:$0x3FFE];
	_ =	sdelay $0x1  }
0x8a: {  	s1 =	srdreg.scid  }
0x8b: {  	s0 =	sand.u32 $0x1, s1  }
0x8c: {  	s17 =	sshll.u32 s0, $0xA;
	s2 =	sadd.s32 s3, s2  }
0x8d: {  	s2 =	sadd.s32 s2, s17  }
0x8e: {  	[smem:$0x3FC6] =	sst s2  }
0x8f: {  	_ = 	snop  }
0x90: {  	s2 =	sld [smem:$0x3FC9]  }
0x91: {  	s18 =	sld [smem:$0x3FD0];
	(tm) =	ssettm $0x1  }
0x92: {  	s4 =	sld [smem:$0x3FFB];
	_ =	sdelay $0x3  }
0x93: {  	_ =	strace s4  }
0x94: {  	s4 =	sld [smem:$0x3FFC];
	_ =	sdelay $0x3  }
0x95: {  	_ =	strace s4  }
0x96: {  	s4 =	sld [smem:$0x3FFD];
	_ =	sdelay $0x3  }
0x97: {  	_ =	strace s4  }
0x98: {  	_ =	strace $0x8FFFFFFF  }
0x99: {  	s19 =	sld [smem:$0x3FDB];
	_ =	sdelay $0x1  }
0x9a: {  	s5 =	simm.s32 $_scs_section_size  }
0x9b: {  	s6 =	simm.s32 $_size__tile_overlayer_lowered;
	s7 =	simm.s32 $_tile_overlayer_lowered  }
0x9c: {  	s22 =	simm.s32 $0x1BFF;
	s21 =	sshll.u32 s7, $0x1;
	s4 =	sadd.s32 s5, s19  }
0x9d: {  	s8 =	simm.s32 $0x0;
	s20 =	sshll.u32 s6, $0x1;
	s6 =	sadd.s32 s21, s4  }
0x9e: {  	[timem:s8], [sflag:s22] =	dma.local [hbm:s6], s20  }
0x9f: {  	_ =	swait.ge [sflag:s22], s20  }
0xa0: {  	s5 =	ssub.s32 $0x0, s20;
	[sflag:s22] =	ssyncset.done $0x0  }
0xa1: {  	[sflag:s22] =	ssyncadd.s32 s5;
	_ =	sdelay $0x1  }
0xa2: {  	s23 =	simm.s32 $0x1B8B  }
0xa3: {  	_ =	swait.ge [sflag:s23], $0x1  }
0xa4: {  	[sflag:s23] =	ssyncset.done $0x0  }
0xa5: {  	s25 =	simm.s32 $0x1B8E;
	s24 =	sld [smem:$0x3FFE];
	[sflag:s23] =	ssyncadd.s32 $0xFFFFFFFF  }
0xa6: {  	s26 =	simm.s32 $execute0_lowered;
	[smem:$0x3FD2] =	sst s25  }
0xa7: {  	s6 =	sshll.u32 s26, $0x1;
	_ =	strace $0x80000046;
	[dreg:$0x1] =	wrdreg $0xFFFFFFFF  }
0xa8: {  	s28 =	simm.s32 $_size_execute0_lowered;
	s4 =	sadd.s32 s4, s6;
	[dreg:$0x0] =	wrdreg $0x0  }
0xa9: {  	s6 =	sshll.u32 s28, $0x1;
	[dreg:$0x2] =	wrdreg s4  }
0xaa: {  	[dreg:$0x3] =	wrdreg s6  }
0xab: {  	[dreg:$0x4] =	wrdreg $0xC0  }
0xac: {  	_ =	task [dreg:s8], $0x5FFFF  }
0xad: {  	[dreg:$0x1] =	wrdreg $0xFFFFFFFF  }
0xae: {  	[dreg:$0x0] =	wrdreg $0x60  }
0xaf: {  	[dreg:$0x2] =	wrdreg s2  }
0xb0: {  	[dreg:$0x3] =	wrdreg s24  }
0xb1: {  	[dreg:$0x4] =	wrdreg s18  }
0xb2: {  	[dreg:$0x5] =	wrdreg $0x9  }
0xb3: {  	_ =	task.clear_ibuf [dreg:s8], $0x6FFFF;
	_ =	strace $0x90000046  }
0xb4: {  	s29 =	simm.s32 $0x9;
	_ =	strace $0x80000048  }
0xb5: {  	_ =	swait.ge [sflag:s29], $0x1  }
0xb6: {  	[sflag:s29] =	ssyncadd.s32 $0xFFFFFFFF  }
0xb7: {  	_ =	strace $0x90000048  }
0xb8: {  	_ =	sfence  }
0xb9: {  	s30 =	sld [smem:$0x0];
	_ =	sdelay $0x2  }
0xba: {  	s31 =	sshll.u32 s1, $0xD;
	s1 =	sshrl.u32 s1, $0x2  }
0xbb: {  	s3 =	sand.u32 $0x4000, s31;
	s1 =	sadd.s32 s1, s30  }
0xbc: {  	s0 =	sor.u32 s3, s0;
	s1 =	sshll.u32 s1, $0x11  }
0xbd: {  	s0 =	sor.u32 s1, s0  }
0xbe: {  	s0 =	sadd.s32 $0x8F2B, s0  }
0xbf: {  	[sflag:s0] =	ssyncadd.remote.s32 $0x1  }
0xc0: {  	_ =	sfence.sel $0xFFFF  }
0xc1: {  	[dreg:$0x0] =	wrdreg $0xFFFFFFFF;
	(pc) =	sbr.abs _section_cstart, $3  }
0xc2: {  	[dreg:$0x1] =	wrdreg $0xFFFFFFFF  }
0xc3: {  	_ =	task.clear_ibuf [dreg:s8], $0x2FFFF;
	_ =	strace $0x9FFFFFFF  }
0xc4: {  	(tm) =	ssettm $0x7FFFFFFF  }
0xc5: {  	_ =	shalt  }
tec
execute0_lowered:
.L_overlay_start_1:
0x0: {  	(tag) =	ssettag $0x1  }
0x1: {  	s0 =	rddreg [dreg:$0x0]  }
0x2: {  	s1 =	rddreg [dreg:$0x1]  }
0x3: {  	s2 =	rddreg [dreg:$0x2]  }
0x4: {  	s3 =	srdreg.scid;
	s5 =	stileid.u32  }
0x5: {  	s9 =	simm.s32 $0x80;
	s21 =	simm.s32 $0x380;
	s22 =	simm.s32 $0x14400  }
0x6: {  	s23 =	simm.s32 $0x400;
	s24 =	simm.s32 $0x16400;
	s25 =	simm.s32 $0x480  }
0x7: {  	s28 =	simm.s32 $0x500;
	s29 =	simm.s32 $0x1A400;
	s30 =	simm.s32 $0x580  }
0x8: {  	s31 =	simm.s32 $0x1C400;
	s10 =	simm.s32 $0x5;
	s11 =	simm.s32 $0x0  }
0x9: {  	s4 =	sand.u32 $0x1, s3;
	s5 =	sshll.u32 s5, $0x1;
	s3 =	simm.s32 $0x0  }
0xa: {  	s6 =	ssub.s32 $0x2, s4;
	s5 =	sor.u32 s4, s5;
	[smem:$0x7FF] =	sst s3  }
0xb: {  	s4 =	sadd.s32 $0xF42C00, s1;
	s7 =	sshrl.u32 s6, $0x1;
	s8 =	smul.u32 $0xC80, s5  }
0xc: {  	s1 =	simm.s32 $0x4;
	_ =	strace $0x80000047;
	s26 =	ssub.s32 s6, s7  }
0xd: {  	s5 =	smul.u32 $0x32, s5;
	s6 =	sadd.s32 s0, s8;
	s7 =	smax.u32 s26, $0x1  }
0xe: {  	s8 =	simm.s32 $0x7;
	s26 =	simm.s32 $0x18400;
	s0 =	simm.s32 $0x6  }
.LBB2_1:
0xf: {  	[tilespmem:s3], [sflag:$0x7] =	stream.linear.gather [hbm4b:s6+s3], $0x6400, $0x38;
	[tilespmem:$0x1E400] =	vst v63  }
0x10: {  	_ =	swait.ge [sflag:s8], $0x6400  }
0x11: {  	[sflag:s8] =	ssyncset.done $0x0  }
0x12: {  	s12 =	simm.s32 $0x6400;
	[sflag:s8] =	ssyncadd.s32 $0xFFFF9C00  }
0x13: {  	[tilespmem:s12], [sflag:$0x1] =	stream.indirect.gather [hbm4b:s4+s9], $0x40, s3, s9, $0xb8;
	[tilespmem:$0x1E400] =	vst v63  }
0x14: {  	s13 =	simm.s32 $0x8400  }
0x15: {  	[tilespmem:s13], [sflag:$0x1] =	stream.indirect.gather [hbm4b:s4+s9], $0x40, s9, s9, $0xb8;
	[tilespmem:$0x1E400] =	vst v63  }
0x16: {  	s18 =	simm.s32 $0x100;
	s14 =	simm.s32 $0xA400  }
0x17: {  	[tilespmem:s14], [sflag:$0x1] =	stream.indirect.gather [hbm4b:s4+s9], $0x40, s18, s9, $0xb8;
	[tilespmem:$0x1E400] =	vst v63  }
0x18: {  	s19 =	simm.s32 $0x180;
	s20 =	simm.s32 $0xC400  }
0x19: {  	[tilespmem:s20], [sflag:$0x1] =	stream.indirect.gather [hbm4b:s4+s9], $0x40, s19, s9, $0xb8;
	[tilespmem:$0x1E400] =	vst v63  }
0x1a: {  	s15 =	simm.s32 $0x200;
	s16 =	simm.s32 $0xE400  }
0x1b: {  	[tilespmem:s16], [sflag:$0x2] =	stream.indirect.gather [hbm4b:s4+s9], $0x40, s15, s9, $0xb8;
	[tilespmem:$0x1E400] =	vst v63  }
0x1c: {  	s17 =	simm.s32 $0x280;
	s18 =	simm.s32 $0x10400  }
0x1d: {  	[tilespmem:s18], [sflag:$0x2] =	stream.indirect.gather [hbm4b:s4+s9], $0x40, s17, s9, $0xb8;
	[tilespmem:$0x1E400] =	vst v63  }
0x1e: {  	s19 =	simm.s32 $0x300;
	s20 =	simm.s32 $0x12400  }
0x1f: {  	[tilespmem:s20], [sflag:$0x2] =	stream.indirect.gather [hbm4b:s4+s9], $0x40, s19, s9, $0xb8;
	[tilespmem:$0x1E400] =	vst v63  }
0x20: {  	_ = 	snop  }
0x21: {  	[tilespmem:s22], [sflag:$0x2] =	stream.indirect.gather [hbm4b:s4+s9], $0x40, s21, s9, $0xb8;
	[tilespmem:$0x1E400] =	vst v63  }
0x22: {  	_ = 	snop  }
0x23: {  	[tilespmem:s24], [sflag:$0x3] =	stream.indirect.gather [hbm4b:s4+s9], $0x40, s23, s9, $0xb8;
	[tilespmem:$0x1E400] =	vst v63  }
0x24: {  	_ = 	snop  }
0x25: {  	[tilespmem:s26], [sflag:$0x3] =	stream.indirect.gather [hbm4b:s4+s9], $0x40, s25, s9, $0xb8;
	[tilespmem:$0x1E400] =	vst v63  }
0x26: {  	_ = 	snop  }
0x27: {  	[tilespmem:s29], [sflag:$0x3] =	stream.indirect.gather [hbm4b:s4+s9], $0x40, s28, s9, $0xb8;
	[tilespmem:$0x1E400] =	vst v63  }
0x28: {  	s13 =	simm.s32 $0x0  }
0x29: {  	[tilespmem:s31], [sflag:$0x3] =	stream.indirect.gather [hbm4b:s4+s9], $0x40, s30, s9, $0xb8;
	[tilespmem:$0x1E400] =	vst v63  }
.LBB2_2:
0x2a: {  	s14 =	smul.u32 $0xAB, s13;
	_ =	sdelay $0x1  }
0x2b: {  	s14 =	sshrl.u32 s14, $0x9  }
0x2c: {  	s14 =	sand.u32 $0x7F, s14  }
0x2d: {  	s14 =	smul.u32 $0x3, s14;
	_ =	sdelay $0x1  }
0x2e: {  	s14 =	ssub.s32 s13, s14  }
0x2f: {  	s15 =	sand.u32 $0xFF, s14  }
0x30: {  	s14 =	sadd.s32 $0x1, s15  }
0x31: {  	s16 =	smulhi.u32 $0xAAAAAAAB, s13;
	_ =	swait.ge [sflag:s14], $0x2000  }
0x32: {  	[sflag:s14] =	ssyncset.done $0x0  }
0x33: {  	s16 =	sshrl.u32 s16, $0x1;
	[sflag:s14] =	ssyncadd.s32 $0xFFFFE000  }
0x34: {  	s16 =	smul.u32 $0xFFFA0000, s16;
	_ =	swait.ge [sflag:s14], $0x2000  }
0x35: {  	[sflag:s14] =	ssyncset.done $0x0  }
0x36: {  	s16 =	sshra.s32 s16, $0x2;
	[sflag:s14] =	ssyncadd.s32 $0xFFFFE000  }
0x37: {  	s16 =	sadd.s32 s16, s12;
	_ =	swait.ge [sflag:s14], $0x2000  }
0x38: {  	v0 =	vmov s16;
	[sflag:s14] =	ssyncset.done $0x0  }
0x39: {  	[sflag:s14] =	ssyncadd.s32 $0xFFFFE000  }
0x3a: {  	_ =	swait.ge [sflag:s14], $0x2000  }
0x3b: {  	[sflag:s14] =	ssyncset.done $0x0  }
0x3c: {  	s18 =	simm.s32 $0x0;
	[sflag:s14] =	ssyncadd.s32 $0xFFFFE000  }
0x3d: {  	v1 =	vld.idx.msk [tilespmem:v0+s18+$0x0 ss:$0x1], $0xffff;
	_ =	sdelay $0x4  }
0x3e: {  	v1 =	vmul.f32 $6.400000000e+01, v1;
	_ =	sdelay $0x1  }
0x3f: {  	[tilespmem:v0+s18+$0x0 ss:$0x1] =	vst.idx.msk $0xffff, v1  }
0x40: {  	v1 =	vld.idx.msk [tilespmem:v0+s18+$0x10 ss:$0x1], $0xffff;
	_ =	sdelay $0x4  }
0x41: {  	v1 =	vmul.f32 $6.400000000e+01, v1;
	_ =	sdelay $0x1  }
0x42: {  	[tilespmem:v0+s18+$0x10 ss:$0x1] =	vst.idx.msk $0xffff, v1  }
0x43: {  	v1 =	vld.idx.msk [tilespmem:v0+s18+$0x20 ss:$0x1], $0xffff;
	_ =	sdelay $0x4  }
0x44: {  	v1 =	vmul.f32 $6.400000000e+01, v1;
	_ =	sdelay $0x1  }
0x45: {  	[tilespmem:v0+s18+$0x20 ss:$0x1] =	vst.idx.msk $0xffff, v1  }
0x46: {  	v1 =	vld.idx.msk [tilespmem:v0+s18+$0x30 ss:$0x1], $0xffff;
	_ =	sdelay $0x4  }
0x47: {  	v1 =	vmul.f32 $6.400000000e+01, v1;
	_ =	sdelay $0x1  }
0x48: {  	[tilespmem:v0+s18+$0x30 ss:$0x1] =	vst.idx.msk $0xffff, v1  }
0x49: {  	v1 =	vld.idx.msk [tilespmem:v0+s18+$0x40 ss:$0x1], $0xffff;
	_ =	sdelay $0x4  }
0x4a: {  	v1 =	vmul.f32 $6.400000000e+01, v1;
	_ =	sdelay $0x1  }
0x4b: {  	[tilespmem:v0+s18+$0x40 ss:$0x1] =	vst.idx.msk $0xffff, v1  }
0x4c: {  	v1 =	vld.idx.msk [tilespmem:v0+s18+$0x50 ss:$0x1], $0xffff;
	_ =	sdelay $0x4  }
0x4d: {  	v1 =	vmul.f32 $6.400000000e+01, v1;
	_ =	sdelay $0x1  }
0x4e: {  	[tilespmem:v0+s18+$0x50 ss:$0x1] =	vst.idx.msk $0xffff, v1  }
0x4f: {  	v1 =	vld.idx.msk [tilespmem:v0+s18+$0x60 ss:$0x1], $0xffff;
	_ =	sdelay $0x4  }
0x50: {  	v1 =	vmul.f32 $6.400000000e+01, v1;
	_ =	sdelay $0x1  }
0x51: {  	[tilespmem:v0+s18+$0x60 ss:$0x1] =	vst.idx.msk $0xffff, v1  }
0x52: {  	v1 =	vld.idx.msk [tilespmem:v0+s18+$0x70 ss:$0x1], $0xffff;
	_ =	sdelay $0x4  }
0x53: {  	v1 =	vmul.f32 $6.400000000e+01, v1;
	_ =	sdelay $0x1  }
0x54: {  	[tilespmem:v0+s18+$0x70 ss:$0x1] =	vst.idx.msk $0xffff, v1  }
0x55: {  	v1 =	vld.idx.msk [tilespmem:v0+s18+$0x80 ss:$0x1], $0xffff;
	_ =	sdelay $0x4  }
0x56: {  	v1 =	vmul.f32 $6.400000000e+01, v1;
	_ =	sdelay $0x1  }
0x57: {  	[tilespmem:v0+s18+$0x80 ss:$0x1] =	vst.idx.msk $0xffff, v1  }
0x58: {  	v1 =	vld.idx.msk [tilespmem:v0+s18+$0x90 ss:$0x1], $0xffff;
	_ =	sdelay $0x4  }
0x59: {  	v1 =	vmul.f32 $6.400000000e+01, v1;
	_ =	sdelay $0x1  }
0x5a: {  	[tilespmem:v0+s18+$0x90 ss:$0x1] =	vst.idx.msk $0xffff, v1  }
0x5b: {  	v1 =	vld.idx.msk [tilespmem:v0+s18+$0xA0 ss:$0x1], $0xffff;
	_ =	sdelay $0x4  }
0x5c: {  	v1 =	vmul.f32 $6.400000000e+01, v1;
	_ =	sdelay $0x1  }
0x5d: {  	[tilespmem:v0+s18+$0xA0 ss:$0x1] =	vst.idx.msk $0xffff, v1  }
0x5e: {  	v1 =	vld.idx.msk [tilespmem:v0+s18+$0xB0 ss:$0x1], $0xffff;
	_ =	sdelay $0x4  }
0x5f: {  	v1 =	vmul.f32 $6.400000000e+01, v1;
	_ =	sdelay $0x1  }
0x60: {  	[tilespmem:v0+s18+$0xB0 ss:$0x1] =	vst.idx.msk $0xffff, v1  }
0x61: {  	v1 =	vld.idx.msk [tilespmem:v0+s18+$0xC0 ss:$0x1], $0xffff;
	_ =	sdelay $0x4  }
0x62: {  	v1 =	vmul.f32 $6.400000000e+01, v1;
	_ =	sdelay $0x1  }
0x63: {  	[tilespmem:v0+s18+$0xC0 ss:$0x1] =	vst.idx.msk $0xffff, v1  }
0x64: {  	v1 =	vld.idx.msk [tilespmem:v0+s18+$0xD0 ss:$0x1], $0xffff;
	_ =	sdelay $0x4  }
0x65: {  	v1 =	vmul.f32 $6.400000000e+01, v1;
	_ =	sdelay $0x1  }
0x66: {  	[tilespmem:v0+s18+$0xD0 ss:$0x1] =	vst.idx.msk $0xffff, v1  }
0x67: {  	v1 =	vld.idx.msk [tilespmem:v0+s18+$0xE0 ss:$0x1], $0xffff;
	_ =	sdelay $0x4  }
0x68: {  	v1 =	vmul.f32 $6.400000000e+01, v1;
	_ =	sdelay $0x1  }
0x69: {  	[tilespmem:v0+s18+$0xE0 ss:$0x1] =	vst.idx.msk $0xffff, v1  }
0x6a: {  	v1 =	vld.idx.msk [tilespmem:v0+s18+$0xF0 ss:$0x1], $0xffff;
	_ =	sdelay $0x3  }
0x6b: {  	s16 =	sshll.u32 s15, $0xF  }
0x6c: {  	s19 =	simm.s32 $0x400;
	s20 =	simm.s32 $0x800;
	s17 =	sor.u32 $0x6400, s16;
	v1 =	vmul.f32 $6.400000000e+01, v1  }
.LBB2_3:
0x6d: {  	p0 =	sne.s32 s20, $0x1FC00  }
0x6e: {  	[tilespmem:v0+s18+$0xF0 ss:$0x1] =	vst.idx.msk $0xffff, v1;
	s18 =	sshra.s32 s19, $0x2;
	s19 =	smov.u32 s20;
	s20 =	sadd.s32 $0x400, s20  }
0x6f: {  	v1 =	vld.idx.msk [tilespmem:v0+s18+$0x0 ss:$0x1], $0xffff;
	_ =	sdelay $0x5  }
0x70: {  	v1 =	vmul.f32 $6.400000000e+01, v1;
	_ =	sdelay $0x1  }
0x71: {  	[tilespmem:v0+s18+$0x0 ss:$0x1] =	vst.idx.msk $0xffff, v1  }
0x72: {  	v1 =	vld.idx.msk [tilespmem:v0+s18+$0x10 ss:$0x1], $0xffff;
	_ =	sdelay $0x5  }
0x73: {  	v1 =	vmul.f32 $6.400000000e+01, v1;
	_ =	sdelay $0x1  }
0x74: {  	[tilespmem:v0+s18+$0x10 ss:$0x1] =	vst.idx.msk $0xffff, v1  }
0x75: {  	v1 =	vld.idx.msk [tilespmem:v0+s18+$0x20 ss:$0x1], $0xffff;
	_ =	sdelay $0x5  }
0x76: {  	v1 =	vmul.f32 $6.400000000e+01, v1;
	_ =	sdelay $0x1  }
0x77: {  	[tilespmem:v0+s18+$0x20 ss:$0x1] =	vst.idx.msk $0xffff, v1  }
0x78: {  	v1 =	vld.idx.msk [tilespmem:v0+s18+$0x30 ss:$0x1], $0xffff;
	_ =	sdelay $0x5  }
0x79: {  	v1 =	vmul.f32 $6.400000000e+01, v1;
	_ =	sdelay $0x1  }
0x7a: {  	[tilespmem:v0+s18+$0x30 ss:$0x1] =	vst.idx.msk $0xffff, v1  }
0x7b: {  	v1 =	vld.idx.msk [tilespmem:v0+s18+$0x40 ss:$0x1], $0xffff;
	_ =	sdelay $0x5  }
0x7c: {  	v1 =	vmul.f32 $6.400000000e+01, v1;
	_ =	sdelay $0x1  }
0x7d: {  	[tilespmem:v0+s18+$0x40 ss:$0x1] =	vst.idx.msk $0xffff, v1  }
0x7e: {  	v1 =	vld.idx.msk [tilespmem:v0+s18+$0x50 ss:$0x1], $0xffff;
	_ =	sdelay $0x5  }
0x7f: {  	v1 =	vmul.f32 $6.400000000e+01, v1;
	_ =	sdelay $0x1  }
0x80: {  	[tilespmem:v0+s18+$0x50 ss:$0x1] =	vst.idx.msk $0xffff, v1  }
0x81: {  	v1 =	vld.idx.msk [tilespmem:v0+s18+$0x60 ss:$0x1], $0xffff;
	_ =	sdelay $0x5  }
0x82: {  	v1 =	vmul.f32 $6.400000000e+01, v1;
	_ =	sdelay $0x1  }
0x83: {  	[tilespmem:v0+s18+$0x60 ss:$0x1] =	vst.idx.msk $0xffff, v1  }
0x84: {  	v1 =	vld.idx.msk [tilespmem:v0+s18+$0x70 ss:$0x1], $0xffff;
	_ =	sdelay $0x5  }
0x85: {  	v1 =	vmul.f32 $6.400000000e+01, v1;
	_ =	sdelay $0x1  }
0x86: {  	[tilespmem:v0+s18+$0x70 ss:$0x1] =	vst.idx.msk $0xffff, v1  }
0x87: {  	v1 =	vld.idx.msk [tilespmem:v0+s18+$0x80 ss:$0x1], $0xffff;
	_ =	sdelay $0x5  }
0x88: {  	v1 =	vmul.f32 $6.400000000e+01, v1;
	_ =	sdelay $0x1  }
0x89: {  	[tilespmem:v0+s18+$0x80 ss:$0x1] =	vst.idx.msk $0xffff, v1  }
0x8a: {  	v1 =	vld.idx.msk [tilespmem:v0+s18+$0x90 ss:$0x1], $0xffff;
	_ =	sdelay $0x5  }
0x8b: {  	v1 =	vmul.f32 $6.400000000e+01, v1;
	_ =	sdelay $0x1  }
0x8c: {  	[tilespmem:v0+s18+$0x90 ss:$0x1] =	vst.idx.msk $0xffff, v1  }
0x8d: {  	v1 =	vld.idx.msk [tilespmem:v0+s18+$0xA0 ss:$0x1], $0xffff;
	_ =	sdelay $0x5  }
0x8e: {  	v1 =	vmul.f32 $6.400000000e+01, v1;
	_ =	sdelay $0x1  }
0x8f: {  	[tilespmem:v0+s18+$0xA0 ss:$0x1] =	vst.idx.msk $0xffff, v1  }
0x90: {  	v1 =	vld.idx.msk [tilespmem:v0+s18+$0xB0 ss:$0x1], $0xffff;
	_ =	sdelay $0x5  }
0x91: {  	v1 =	vmul.f32 $6.400000000e+01, v1;
	_ =	sdelay $0x1  }
0x92: {  	[tilespmem:v0+s18+$0xB0 ss:$0x1] =	vst.idx.msk $0xffff, v1  }
0x93: {  	v1 =	vld.idx.msk [tilespmem:v0+s18+$0xC0 ss:$0x1], $0xffff;
	_ =	sdelay $0x5  }
0x94: {  	v1 =	vmul.f32 $6.400000000e+01, v1;
	_ =	sdelay $0x1  }
0x95: {  	[tilespmem:v0+s18+$0xC0 ss:$0x1] =	vst.idx.msk $0xffff, v1  }
0x96: {  	v1 =	vld.idx.msk [tilespmem:v0+s18+$0xD0 ss:$0x1], $0xffff;
	_ =	sdelay $0x5  }
0x97: {  	v1 =	vmul.f32 $6.400000000e+01, v1;
	_ =	sdelay $0x1  }
0x98: {  	[tilespmem:v0+s18+$0xD0 ss:$0x1] =	vst.idx.msk $0xffff, v1  }
0x99: {  	v1 =	vld.idx.msk [tilespmem:v0+s18+$0xE0 ss:$0x1], $0xffff;
	_ =	sdelay $0x5  }
0x9a: {  	v1 =	vmul.f32 $6.400000000e+01, v1;
	_ =	sdelay $0x1  }
0x9b: {  	[tilespmem:v0+s18+$0xE0 ss:$0x1] =	vst.idx.msk $0xffff, v1  }
0x9c: {  	v1 =	vld.idx.msk [tilespmem:v0+s18+$0xF0 ss:$0x1], $0xffff;
	_ =	sdelay $0x1  }
.Ltmp0:
0x9d: {  	(pc) =	sbr.rel @p0 .LBB2_3-.Ltmp0, $2  }
0x9e: {  	_ =	sdelay $0x2  }
0x9f: {  	v1 =	vmul.f32 $6.400000000e+01, v1  }
0xa0: {  	_ =	sdelay $0x3  }
0xa1: {  	s19 =	sshra.s32 s19, $0x2;
	[tilespmem:v0+s18+$0xF0 ss:$0x1] =	vst.idx.msk $0xffff, v1  }
0xa2: {  	v1 =	vld.idx.msk [tilespmem:v0+s19+$0x0 ss:$0x1], $0xffff;
	_ =	sdelay $0x4  }
0xa3: {  	v1 =	vmul.f32 $6.400000000e+01, v1;
	_ =	sdelay $0x1  }
0xa4: {  	[tilespmem:v0+s19+$0x0 ss:$0x1] =	vst.idx.msk $0xffff, v1  }
0xa5: {  	v1 =	vld.idx.msk [tilespmem:v0+s19+$0x10 ss:$0x1], $0xffff;
	_ =	sdelay $0x4  }
0xa6: {  	v1 =	vmul.f32 $6.400000000e+01, v1;
	_ =	sdelay $0x1  }
0xa7: {  	[tilespmem:v0+s19+$0x10 ss:$0x1] =	vst.idx.msk $0xffff, v1  }
0xa8: {  	v1 =	vld.idx.msk [tilespmem:v0+s19+$0x20 ss:$0x1], $0xffff;
	_ =	sdelay $0x4  }
0xa9: {  	v1 =	vmul.f32 $6.400000000e+01, v1;
	_ =	sdelay $0x1  }
0xaa: {  	[tilespmem:v0+s19+$0x20 ss:$0x1] =	vst.idx.msk $0xffff, v1  }
0xab: {  	v1 =	vld.idx.msk [tilespmem:v0+s19+$0x30 ss:$0x1], $0xffff;
	_ =	sdelay $0x4  }
0xac: {  	v1 =	vmul.f32 $6.400000000e+01, v1;
	_ =	sdelay $0x1  }
0xad: {  	[tilespmem:v0+s19+$0x30 ss:$0x1] =	vst.idx.msk $0xffff, v1  }
0xae: {  	v1 =	vld.idx.msk [tilespmem:v0+s19+$0x40 ss:$0x1], $0xffff;
	_ =	sdelay $0x4  }
0xaf: {  	v1 =	vmul.f32 $6.400000000e+01, v1;
	_ =	sdelay $0x1  }
0xb0: {  	[tilespmem:v0+s19+$0x40 ss:$0x1] =	vst.idx.msk $0xffff, v1  }
0xb1: {  	v1 =	vld.idx.msk [tilespmem:v0+s19+$0x50 ss:$0x1], $0xffff;
	_ =	sdelay $0x4  }
0xb2: {  	v1 =	vmul.f32 $6.400000000e+01, v1;
	_ =	sdelay $0x1  }
0xb3: {  	[tilespmem:v0+s19+$0x50 ss:$0x1] =	vst.idx.msk $0xffff, v1  }
0xb4: {  	v1 =	vld.idx.msk [tilespmem:v0+s19+$0x60 ss:$0x1], $0xffff;
	_ =	sdelay $0x4  }
0xb5: {  	v1 =	vmul.f32 $6.400000000e+01, v1;
	_ =	sdelay $0x1  }
0xb6: {  	[tilespmem:v0+s19+$0x60 ss:$0x1] =	vst.idx.msk $0xffff, v1  }
0xb7: {  	v1 =	vld.idx.msk [tilespmem:v0+s19+$0x70 ss:$0x1], $0xffff;
	_ =	sdelay $0x4  }
0xb8: {  	v1 =	vmul.f32 $6.400000000e+01, v1;
	_ =	sdelay $0x1  }
0xb9: {  	[tilespmem:v0+s19+$0x70 ss:$0x1] =	vst.idx.msk $0xffff, v1  }
0xba: {  	v1 =	vld.idx.msk [tilespmem:v0+s19+$0x80 ss:$0x1], $0xffff;
	_ =	sdelay $0x4  }
0xbb: {  	v1 =	vmul.f32 $6.400000000e+01, v1;
	_ =	sdelay $0x1  }
0xbc: {  	[tilespmem:v0+s19+$0x80 ss:$0x1] =	vst.idx.msk $0xffff, v1  }
0xbd: {  	v1 =	vld.idx.msk [tilespmem:v0+s19+$0x90 ss:$0x1], $0xffff;
	_ =	sdelay $0x4  }
0xbe: {  	v1 =	vmul.f32 $6.400000000e+01, v1;
	_ =	sdelay $0x1  }
0xbf: {  	[tilespmem:v0+s19+$0x90 ss:$0x1] =	vst.idx.msk $0xffff, v1  }
0xc0: {  	v1 =	vld.idx.msk [tilespmem:v0+s19+$0xA0 ss:$0x1], $0xffff;
	_ =	sdelay $0x4  }
0xc1: {  	v1 =	vmul.f32 $6.400000000e+01, v1;
	_ =	sdelay $0x1  }
0xc2: {  	[tilespmem:v0+s19+$0xA0 ss:$0x1] =	vst.idx.msk $0xffff, v1  }
0xc3: {  	v1 =	vld.idx.msk [tilespmem:v0+s19+$0xB0 ss:$0x1], $0xffff;
	_ =	sdelay $0x4  }
0xc4: {  	v1 =	vmul.f32 $6.400000000e+01, v1;
	_ =	sdelay $0x1  }
0xc5: {  	[tilespmem:v0+s19+$0xB0 ss:$0x1] =	vst.idx.msk $0xffff, v1  }
0xc6: {  	v1 =	vld.idx.msk [tilespmem:v0+s19+$0xC0 ss:$0x1], $0xffff;
	_ =	sdelay $0x4  }
0xc7: {  	v1 =	vmul.f32 $6.400000000e+01, v1;
	_ =	sdelay $0x1  }
0xc8: {  	[tilespmem:v0+s19+$0xC0 ss:$0x1] =	vst.idx.msk $0xffff, v1  }
0xc9: {  	v1 =	vld.idx.msk [tilespmem:v0+s19+$0xD0 ss:$0x1], $0xffff;
	_ =	sdelay $0x4  }
0xca: {  	v1 =	vmul.f32 $6.400000000e+01, v1;
	_ =	sdelay $0x1  }
0xcb: {  	[tilespmem:v0+s19+$0xD0 ss:$0x1] =	vst.idx.msk $0xffff, v1  }
0xcc: {  	v1 =	vld.idx.msk [tilespmem:v0+s19+$0xE0 ss:$0x1], $0xffff;
	_ =	sdelay $0x4  }
0xcd: {  	v1 =	vmul.f32 $6.400000000e+01, v1;
	_ =	sdelay $0x1  }
0xce: {  	[tilespmem:v0+s19+$0xE0 ss:$0x1] =	vst.idx.msk $0xffff, v1  }
0xcf: {  	v1 =	vld.idx.msk [tilespmem:v0+s19+$0xF0 ss:$0x1], $0xffff;
	_ =	sdelay $0x4  }
0xd0: {  	s20 =	sadd.s32 s5, s13;
	v1 =	vmul.f32 $6.400000000e+01, v1  }
0xd1: {  	s18 =	sshll.u32 s20, $0xC  }
0xd2: {  	s15 =	sadd.s32 $0x4, s15;
	p0 =	sgt.u32 s13, $0x2E;
	s18 =	sadd.s32 s2, s18;
	[tilespmem:v0+s19+$0xF0 ss:$0x1] =	vst.idx.msk $0xffff, v1  }
0xd3: {  	[hbm4b:s18+s3] =	stream.linear.scatter [tilespmem:s17], [sflag:s15], $0x8000, $0x38;
	[tilespmem:$0x1E400] =	vst v63  }
0xd4: {  	s18 =	sshll.u32 @!p0 s13, $0x9;
	_ =	swait.ge @!p0 [sflag:s15], $0x8000  }
0xd5: {  	s18 =	sand.u32 @!p0 $0x3FFFFE00, s18;
	[sflag:s15] =	ssyncset.done @!p0 $0x0  }
0xd6: {  	s19 =	simm.s32 @!p0 $0x80;
	[sflag:s15] =	ssyncadd.s32 @!p0 $0xFFFF8000;
	s15 =	sadd.s32 @!p0 $0x600, s18  }
0xd7: {  	[tilespmem:s17], [sflag:s14] =	stream.indirect.gather @!p0 [hbm4b:s4+s19], $0x40, s15, s19, $0xb8;
	[tilespmem:$0x1E400] =	vst v63  }
0xd8: {  	s15 =	sadd.s32 @!p0 $0x8400, s16;
	s17 =	sadd.s32 @!p0 $0x680, s18  }
0xd9: {  	[tilespmem:s15], [sflag:s14] =	stream.indirect.gather @!p0 [hbm4b:s4+s19], $0x40, s17, s19, $0xb8;
	[tilespmem:$0x1E400] =	vst v63  }
0xda: {  	s15 =	sadd.s32 @!p0 $0xA400, s16;
	s17 =	sadd.s32 @!p0 $0x700, s18  }
0xdb: {  	[tilespmem:s15], [sflag:s14] =	stream.indirect.gather @!p0 [hbm4b:s4+s19], $0x40, s17, s19, $0xb8;
	[tilespmem:$0x1E400] =	vst v63  }
0xdc: {  	s13 =	sadd.s32 $0x1, s13;
	s15 =	sadd.s32 @!p0 $0xC400, s16;
	s16 =	sadd.s32 @!p0 $0x780, s18  }
0xdd: {  	[tilespmem:s15], [sflag:s14] =	stream.indirect.gather @!p0 [hbm4b:s4+s19], $0x40, s16, s19, $0xb8;
	[tilespmem:$0x1E400] =	vst v63  }
0xde: {  	p0 =	sne.s32 s13, $0x32  }
.Ltmp1:
0xdf: {  	_ = 	snop;
	(pc) =	sbr.rel @p0 .LBB2_2-.Ltmp1, $2  }
0xe0: {  	_ =	sdelay $0x2  }
0xe1: {  	s12 =	sadd.s32 $0x8000, s12  }
0xe2: {  	_ =	swait.ge [sflag:s0], $0x8000  }
0xe3: {  	[sflag:s0] =	ssyncset.done $0x0  }
0xe4: {  	s11 =	sadd.s32 $0x1, s11;
	[sflag:s0] =	ssyncadd.s32 $0xFFFF8000  }
0xe5: {  	p0 =	sne.s32 s11, s7;
	_ =	swait.ge [sflag:s1], $0x8000  }
.Ltmp2:
0xe6: {  	[sflag:s1] =	ssyncset.done $0x0;
	(pc) =	sbr.rel @p0 .LBB2_1-.Ltmp2, $4  }
0xe7: {  	[sflag:s1] =	ssyncadd.s32 $0xFFFF8000  }
0xe8: {  	_ =	swait.ge [sflag:s10], $0x8000  }
0xe9: {  	[sflag:s10] =	ssyncset.done $0x0  }
0xea: {  	[sflag:s10] =	ssyncadd.s32 $0xFFFF8000  }
0xeb: {  	_ =	sfence.sel $0x180000  }
0xec: {  	[bflag:$0x0] =	sbarrier.arrive $0xFFFF  }
0xed: {  	_ =	strace $0x90000047  }
0xee: {  	s0 =	stileid.u32;
	[bflag:$0x2] =	sbarrier.arrive $0xFFFF  }
0xef: {  	p0 =	sne.s32 s0, $0x0;
	s0 =	rddreg [dreg:$0x3]  }
0xf0: {  	s0 =	sadd.s32 @!p0 $0x100000, s0  }
0xf1: {  	[sflag:s0] =	ssyncadd.tile.s32 @!p0 $0x1;
	_ =	shalt  }
.Lfunc_end2:
_tile_overlayer_lowered:
.L_overlay_start_2:
0xf2: {  	(tag) =	ssettag $0x2  }
0xf3: {  	s0 =	rddreg [dreg:$0x0];
	s2 =	stileid.u32  }
0xf4: {  	s1 =	rddreg [dreg:$0x1];
	p0 =	sne.s32 s2, $0x0  }
0xf5: {  	s3 =	rddreg [dreg:$0x2];
	[bflag:$0x3] =	sbarrier.arrive $0xFFFF;
	s2 =	simm.s32 @!p0 $0x1C07  }
0xf6: {  	[timem:s3], [sflag:s2] =	dma.local @!p0 [hbm:s0], s1  }
0xf7: {  	s0 =	simm.s32 @!p0 $0x7  }
0xf8: {  	_ =	swait.ge @!p0 [sflag:s0], s1  }
0xf9: {  	s1 =	ssub.s32 @!p0 $0x0, s1;
	[sflag:s0] =	ssyncset.done @!p0 $0x0  }
0xfa: {  	[sflag:s0] =	ssyncadd.s32 @!p0 s1  }
0xfb: {  	[bflag:$0x3] =	sbarrier.arrive $0xFFFF  }
0xfc: {  	_ =	shalt  }

// kernel: sparse-core-data-format-call.cloned.1.call-start
scs
called_computation_lowered:
.L_overlay_start_0:
0x0: {  	s2 =	sld [smem:$0x3FD9]  }
0x1: {  	s3 =	sld [smem:$0x3FFE];
	_ =	sdelay $0x1  }
0x2: {  	s1 =	srdreg.scid  }
0x3: {  	s0 =	sand.u32 $0x1, s1  }
0x4: {  	s18 =	sshll.u32 s0, $0xA;
	s2 =	sadd.s32 s3, s2  }
0x5: {  	s2 =	sadd.s32 s2, s18  }
0x6: {  	[smem:$0x3FC6] =	sst s2  }
0x7: {  	_ = 	snop  }
0x8: {  	s2 =	sld [smem:$0x3FD0];
	(tm) =	ssettm $0x1  }
0x9: {  	s19 =	sld [smem:$0x3FFB];
	_ =	sdelay $0x3  }
0xa: {  	_ =	strace s19  }
0xb: {  	s3 =	sld [smem:$0x3FFC];
	_ =	sdelay $0x3  }
0xc: {  	_ =	strace s3  }
0xd: {  	s3 =	sld [smem:$0x3FFD];
	_ =	sdelay $0x3  }
0xe: {  	_ =	strace s3  }
0xf: {  	_ =	strace $0x8FFFFFFF  }
0x10: {  	s20 =	sld [smem:$0x3FDB];
	_ =	sdelay $0x1  }
0x11: {  	s4 =	simm.s32 $_scs_section_size  }
0x12: {  	s5 =	simm.s32 $_size__tile_overlayer_lowered;
	s6 =	simm.s32 $_tile_overlayer_lowered  }
0x13: {  	s23 =	simm.s32 $0x1BFF;
	s22 =	sshll.u32 s6, $0x1;
	s3 =	sadd.s32 s4, s20  }
0x14: {  	s7 =	simm.s32 $0x0;
	s21 =	sshll.u32 s5, $0x1;
	s5 =	sadd.s32 s22, s3  }
0x15: {  	[timem:s7], [sflag:s23] =	dma.local [hbm:s5], s21  }
0x16: {  	_ =	swait.ge [sflag:s23], s21  }
0x17: {  	s4 =	ssub.s32 $0x0, s21;
	[sflag:s23] =	ssyncset.done $0x0  }
0x18: {  	[sflag:s23] =	ssyncadd.s32 s4;
	_ =	sdelay $0x1  }
0x19: {  	s24 =	simm.s32 $0x1B8B  }
0x1a: {  	_ =	swait.ge [sflag:s24], $0x1  }
0x1b: {  	[sflag:s24] =	ssyncset.done $0x0  }
0x1c: {  	s26 =	simm.s32 $0x1B8E;
	s25 =	sld [smem:$0x3FFE];
	[sflag:s24] =	ssyncadd.s32 $0xFFFFFFFF  }
0x1d: {  	s27 =	simm.s32 $execute0_lowered;
	[smem:$0x3FD2] =	sst s26  }
0x1e: {  	s5 =	sshll.u32 s27, $0x1;
	_ =	strace $0x80000049;
	[dreg:$0x1] =	wrdreg $0xFFFFFFFF  }
0x1f: {  	s28 =	simm.s32 $_size_execute0_lowered;
	s3 =	sadd.s32 s3, s5;
	[dreg:$0x0] =	wrdreg $0x0  }
0x20: {  	s5 =	sshll.u32 s28, $0x1;
	[dreg:$0x2] =	wrdreg s3  }
0x21: {  	[dreg:$0x3] =	wrdreg s5  }
0x22: {  	[dreg:$0x4] =	wrdreg $0xC0  }
0x23: {  	_ =	task [dreg:s7], $0x5FFFF  }
0x24: {  	[dreg:$0x1] =	wrdreg $0xFFFFFFFF  }
0x25: {  	[dreg:$0x0] =	wrdreg $0x60  }
0x26: {  	[dreg:$0x2] =	wrdreg s25  }
0x27: {  	[dreg:$0x3] =	wrdreg s2  }
0x28: {  	[dreg:$0x4] =	wrdreg $0x9  }
0x29: {  	_ =	task.clear_ibuf [dreg:s7], $0x5FFFF;
	_ =	strace $0x90000049  }
0x2a: {  	s29 =	simm.s32 $0x9;
	_ =	strace $0x8000004B  }
0x2b: {  	_ =	swait.ge [sflag:s29], $0x1  }
0x2c: {  	[sflag:s29] =	ssyncadd.s32 $0xFFFFFFFF  }
0x2d: {  	_ =	strace $0x9000004B  }
0x2e: {  	_ =	sfence  }
0x2f: {  	s30 =	sld [smem:$0x0];
	_ =	sdelay $0x2  }
0x30: {  	s31 =	sshll.u32 s1, $0xD;
	s1 =	sshrl.u32 s1, $0x2  }
0x31: {  	s3 =	sand.u32 $0x4000, s31;
	s1 =	sadd.s32 s1, s30  }
0x32: {  	s0 =	sor.u32 s3, s0;
	s1 =	sshll.u32 s1, $0x11  }
0x33: {  	s0 =	sor.u32 s1, s0  }
0x34: {  	s0 =	sadd.s32 $0x8F2B, s0  }
0x35: {  	[sflag:s0] =	ssyncadd.remote.s32 $0x1  }
0x36: {  	_ =	sfence.sel $0xFFFF  }
0x37: {  	[dreg:$0x0] =	wrdreg $0xFFFFFFFF;
	(pc) =	sbr.abs _section_cstart, $3  }
0x38: {  	[dreg:$0x1] =	wrdreg $0xFFFFFFFF  }
0x39: {  	_ =	task.clear_ibuf [dreg:s7], $0x2FFFF;
	_ =	strace $0x9FFFFFFF  }
0x3a: {  	(tm) =	ssettm $0x7FFFFFFF  }
0x3b: {  	_ =	shalt  }
tec
execute0_lowered:
.L_overlay_start_1:
0x0: {  	(tag) =	ssettag $0x1  }
0x1: {  	s0 =	srdreg.scid  }
0x2: {  	s1 =	sshll.u32 s0, $0x4  }
0x3: {  	s0 =	stileid.u32;
	s1 =	sand.u32 $0x10, s1  }
0x4: {  	s7 =	rddreg [dreg:$0x0];
	s1 =	sor.u32 s0, s1  }
0x5: {  	s4 =	simm.s32 $0x1;
	s8 =	simm.s32 $0x2;
	s2 =	sshll.u32 s1, $0x7  }
0x6: {  	s13 =	simm.s32 $0x0;
	s9 =	simm.s32 $0x20000;
	s1 =	ssub.s32 $0x4000, s2  }
0x7: {  	s14 =	simm.s32 $0x0;
	s11 =	simm.s32 $0x0;
	s3 =	sand.u32 $0xF80, s1  }
0x8: {  	s12 =	simm.s32 $0x0;
	s5 =	sshrl.u32 s1, $0xC;
	p0 =	sne.s32 s3, $0x0  }
.Ltmp0:
0x9: {  	s1 =	rddreg [dreg:$0x2];
	s4 =	simm.s32 @!p0 $0x0;
	(pc) =	sbr.rel .LBB1_1-.Ltmp0, $4  }
0xa: {  	s6 =	sadd.s32 $0x800, s7;
	s3 =	rddreg [dreg:$0x1];
	s5 =	sadd.s32 s4, s5  }
0xb: {  	_ =	strace $0x8000004A;
	s4 =	simm.s32 $0x1;
	s5 =	smul.u32 $0x19, s5  }
0xc: {  	s7 =	sadd.s32 $0x40800, s7;
	s10 =	smov.u32 s2;
	[sflag:s4] =	ssyncpa.u1 $0x0  }
0xd: {  	p0 =	por $0x0, $0x0;
	[sflag:s8] =	ssyncpa.u1 $0x0;
	s8 =	sadd.s32 $0x1, s5  }
.LBB1_7:
0xe: {  	s15 =	sadd.s32 $0x1000, s10  }
0xf: {  	s13 =	sadd.s32 $0x2, s11;
	s17 =	smov.u32 s11;
	p2 =	sgt.s32 s15, $0x3FFF  }
0x10: {  	s17 =	smov.u32 @p2 s13  }
0x11: {  	s15 =	smov.u32 @p2 s2;
	p2 =	sgt.s32 s17, $0x31  }
0x12: {  	s17 =	simm.s32 @p2 $0x0;
	p2 =	sne.s32 s12, s8  }
.Ltmp1:
0x13: {  	p1 =	slt.u32 s12, $0x2;
	(pc) =	sbr.rel @!p2 .LBB1_8-.Ltmp1, $4  }
0x14: {  	s16 =	simm.s32 @!p1 $0x2  }
0x15: {  	s14 =	smov.u32 s11;
	p0 =	por !p0, !p0;
	_ =	swait.ge @!p1 [sflag:s16], $0x4000  }
0x16: {  	s13 =	smov.u32 s10;
	[sflag:s16] =	ssyncset.done @!p1 $0x0;
	s10 =	smov.u32 s15  }
0x17: {  	s12 =	sadd.s32 $0x1, s12;
	[sflag:s16] =	ssyncadd.s32 @!p1 $0xFFFFC000;
	s11 =	smov.u32 s17  }
.LBB1_1:
0x18: {  	p1 =	sge.u32 s12, s5  }
0x19: {  	s15 =	sxor.u32 @!p1 $0xFFFFFFFF, s12;
	s16 =	sshll.u32 @!p1 s11, $0x12  }
0x1a: {  	s17 =	sshll.u32 @!p1 s10, $0x4;
	s19 =	simm.s32 @!p1 $0x40;
	s20 =	simm.s32 @!p1 $0x80  }
0x1b: {  	s15 =	sshll.u32 @!p1 s15, $0xE;
	s17 =	sand.u32 @!p1 $0x3FFF0, s17;
	s18 =	sadd.s32 @!p1 s6, s16  }
0x1c: {  	s16 =	sadd.s32 @!p1 s16, s7;
	s15 =	sand.u32 @!p1 $0x4000, s15;
	s18 =	sadd.s32 @!p1 s17, s18  }
0x1d: {  	[tilespmem:s15], [sflag:$0x1] =	stream.strided.gather @!p1 [hbm4b:s18+s19], $0x2000, s20, s19, $0x38;
	[tilespmem:$0x10100] =	vst v63  }
0x1e: {  	s31 =	sadd.s32 $0xFFFFFFFF, s12;
	s16 =	sadd.s32 @!p1 s17, s16;
	s15 =	sor.u32 @!p1 $0x2000, s15  }
0x1f: {  	[tilespmem:s15], [sflag:$0x1] =	stream.strided.gather @!p1 [hbm4b:s16+s19], $0x2000, s20, s19, $0x38;
	[tilespmem:$0x10100] =	vst v63  }
0x20: {  	p1 =	sge.u32 s31, s5  }
.Ltmp2:
0x21: {  	_ = 	snop;
	(pc) =	sbr.rel @p1 .LBB1_7-.Ltmp2, $1  }
0x22: {  	_ =	sdelay $0x3  }
0x23: {  	s15 =	simm.s32 $0x1;
	s17 =	sand.u32 $0x1, s12  }
0x24: {  	_ =	swait.ge [sflag:s4], $0x4000;
	s15 =	simm.s32 @!p0 $0x0;
	s17 =	smul.u32 $0x10200, s17  }
0x25: {  	p2 =	por $0x1, $0x1;
	[sflag:s4] =	ssyncset.done $0x0;
	s16 =	smul.u32 $0x10200, s15  }
0x26: {  	s18 =	sshll.u32 s15, $0x10;
	[sflag:s4] =	ssyncadd.s32 $0xFFFFC000;
	s30 =	sshrl.u32 s17, $0x2  }
0x27: {  	s31 =	sshrl.u32 s18, $0x2;
	s18 =	simm.s32 $0x0;
	s16 =	sshrl.u32 s16, $0x2  }
0x28: {  	s15 =	sor.u32 $0x8000, s30;
	s17 =	sadd.s32 $0x20, s31;
	s16 =	sor.u32 $0x8000, s16  }
.LBB1_3:
0x29: {  	s19 =	sshll.u32 s18, $0xD  }
0x2a: {  	s19 =	sand.u32 $0x3FFFE000, s19  }
0x2b: {  	s21 =	sadd.s32 s19, s17  }
0x2c: {  	s31 =	smul.u32 $0x8100, s18;
	v3 =	vld [tilespmem:s21+$0x10]  }
0x2d: {  	v1 =	vld [tilespmem:s21+$0xFFFFFFF0]  }
0x2e: {  	s18 =	sshra.s32 s31, $0x2;
	v0 =	vld [tilespmem:s21+$0x0]  }
0x2f: {  	s18 =	sadd.s32 s18, s16;
	v2 =	vld [tilespmem:s21+$0xFFFFFFE0]  }
0x30: {  	s19 =	sadd.s32 $0x0, s18  }
0x31: {  	p1 =	por p2, p2;
	s20 =	simm.s32 $0x4;
	s21 =	sadd.s32 $0x40, s21;
	[tilespmem:s19+$0x1830 ss:$0x81] =	vst.msk $0xffff, v3  }
.LBB1_4:
0x32: {  	v3 =	vld [tilespmem:s21+$0x10];
	p2 =	sne.s32 s20, $0x1FC;
	[tilespmem:s19+$0x810 ss:$0x81] =	vst.msk $0xffff, v1;
	s22 =	smov.u32 s20;
	s20 =	sadd.s32 $0x4, s20  }
.Ltmp3:
0x33: {  	v1 =	vld [tilespmem:s21+$0xFFFFFFF0];
	[tilespmem:s19+$0x1020 ss:$0x81] =	vst.msk $0xffff, v0;
	(pc) =	sbr.rel @p2 .LBB1_4-.Ltmp3, $4  }
0x34: {  	v0 =	vld [tilespmem:s21+$0x0];
	[tilespmem:s19+$0x0 ss:$0x81] =	vst.msk $0xffff, v2  }
0x35: {  	s19 =	sshra.s32 s22, $0x2;
	v2 =	vld [tilespmem:s21+$0xFFFFFFE0]  }
0x36: {  	s19 =	sadd.s32 s19, s18  }
0x37: {  	s21 =	sadd.s32 $0x40, s21;
	[tilespmem:s19+$0x1830 ss:$0x81] =	vst.msk $0xffff, v3  }
.Ltmp4:
0x38: {  	(pc) =	sbr.rel @p1 .LBB1_3-.Ltmp4, $4  }
0x39: {  	_ = 	snop  }
0x3a: {  	[tilespmem:s19+$0x810 ss:$0x81] =	vst.msk $0xffff, v1  }
0x3b: {  	[tilespmem:s19+$0x1020 ss:$0x81] =	vst.msk $0xffff, v0  }
0x3c: {  	s18 =	simm.s32 $0x1;
	p2 =	por $0x0, $0x0;
	[tilespmem:s19+$0x0 ss:$0x81] =	vst.msk $0xffff, v2  }
0x3d: {  	s16 =	sshll.u32 s13, $0x3;
	s17 =	sand.u32 $0x78, s13;
	s14 =	sshll.u32 s14, $0x11  }
.Ltmp5:
0x3e: {  	s30 =	sand.u32 $0x1F800, s13;
	s16 =	sand.u32 $0x3C00, s16;
	(pc) =	sbr.rel .LBB1_7-.Ltmp5, $4  }
0x3f: {  	s31 =	sand.u32 $0x7, s13;
	s14 =	sadd.s32 s3, s14;
	s16 =	sor.u32 s17, s16  }
0x40: {  	s13 =	sshll.u32 s31, $0x12;
	s14 =	sadd.s32 s30, s14;
	s16 =	sshrl.u32 s16, $0x3  }
0x41: {  	s13 =	sor.u32 $0x400, s13;
	s14 =	sadd.s32 s16, s14  }
0x42: {  	[hbm4b:s14+s13] =	stream.strided.scatter [tilespmem:s15], [sflag:$0x2], $0x4000, s9, s13, $0x20;
	[tilespmem:$0x10100] =	vst v63  }
.LBB1_8:
0x43: {  	_ =	sfence.sel $0x180000  }
0x44: {  	s2 =	simm.s32 $0x1;
	[bflag:$0x0] =	sbarrier.arrive $0xFFFF  }
0x45: {  	s31 =	simm.s32 $0x2;
	[sflag:s2] =	ssyncpa.u1 $0x1  }
0x46: {  	[sflag:s31] =	ssyncpa.u1 $0x1  }
0x47: {  	p0 =	sne.s32 s0, $0x0;
	_ =	strace $0x9000004A  }
0x48: {  	s0 =	sadd.s32 @!p0 $0x100000, s1;
	[bflag:$0x2] =	sbarrier.arrive $0xFFFF  }
0x49: {  	[sflag:s0] =	ssyncadd.tile.s32 @!p0 $0x1;
	_ =	shalt  }
.Lfunc_end1:
_tile_overlayer_lowered:
.L_overlay_start_2:
0x4a: {  	(tag) =	ssettag $0x2  }
0x4b: {  	s0 =	rddreg [dreg:$0x0];
	s2 =	stileid.u32  }
0x4c: {  	s1 =	rddreg [dreg:$0x1];
	p0 =	sne.s32 s2, $0x0  }
0x4d: {  	s3 =	rddreg [dreg:$0x2];
	[bflag:$0x3] =	sbarrier.arrive $0xFFFF;
	s2 =	simm.s32 @!p0 $0x1C01  }
0x4e: {  	[timem:s3], [sflag:s2] =	dma.local @!p0 [hbm:s0], s1  }
0x4f: {  	s0 =	simm.s32 @!p0 $0x1  }
0x50: {  	_ =	swait.ge @!p0 [sflag:s0], s1  }
0x51: {  	s1 =	ssub.s32 @!p0 $0x0, s1;
	[sflag:s0] =	ssyncset.done @!p0 $0x0  }
0x52: {  	[sflag:s0] =	ssyncadd.s32 @!p0 s1  }
0x53: {  	[bflag:$0x3] =	sbarrier.arrive $0xFFFF  }
0x54: {  	_ =	shalt  }

</sc_bundles>
